<compile_context>
chip_gen: v7x
topology: tpu7x:2x2x1
jax: 0.10.2.dev20260603
libtpu: 0.0.44.dev20260713+nightly
codegen_flags: <defaults>
</compile_context>

<pallas_src>
import jax
import jax.numpy as jnp
from jax import lax
from jax.experimental import pallas as pl
from jax.experimental.pallas import tpu as pltpu

_NMS_THRESH = 0.6
_CONF = 0.05
_TOPN = 1000
_KP = 1024
_RCHUNK = 256


def _decode_rows(lx, ly, bl, bt, br, bb, lab, wv, hv):
    x1 = jnp.clip(lx - bl, 0.0, wv)
    y1 = jnp.clip(ly - bt, 0.0, hv)
    x2 = jnp.clip(lx + br, 0.0, wv)
    y2 = jnp.clip(ly + bb, 0.0, hv)
    off = lab * (jnp.maximum(wv, hv) + 1.0)
    return x1, y1, x2, y2, off


def _locmax_body(cls_ref, ctr_ref, out_ref):
    s = jax.nn.sigmoid(cls_ref[0])
    sc = s * jax.nn.sigmoid(ctr_ref[0])
    sc = sc * (s > _CONF).astype(sc.dtype)
    out_ref[0] = jnp.max(sc, axis=1, keepdims=True)


def _run_locmax(cls3, ctr3, B, N, C):
    return pl.pallas_call(
        _locmax_body,
        grid=(B,),
        in_specs=[
            pl.BlockSpec((1, N, C), lambda b: (b, 0, 0)),
            pl.BlockSpec((1, N, 1), lambda b: (b, 0, 0)),
        ],
        out_specs=pl.BlockSpec((1, N, 1), lambda b: (b, 0, 0)),
        out_shape=jax.ShapeDtypeStruct((B, N, 1), jnp.float32),
        compiler_params=pltpu.CompilerParams(
            dimension_semantics=("parallel",)),
    )(cls3, ctr3)


def _nms_body(cand_ref, candt_ref, out_ref, a_ref):
    c = cand_ref[0]
    x1, y1, x2, y2, off = _decode_rows(
        c[0:1, :], c[1:2, :], c[2:3, :], c[3:4, :], c[4:5, :], c[5:6, :],
        c[6:7, :], c[7:8, :], c[8:9, :])
    out_ref[0, 0:1, :] = x1
    out_ref[0, 1:2, :] = y1
    out_ref[0, 2:3, :] = x2
    out_ref[0, 3:4, :] = y2
    nx1, ny1, nx2, ny2 = x1 + off, y1 + off, x2 + off, y2 + off
    area_r = jnp.maximum(nx2 - nx1, 0.0) * jnp.maximum(ny2 - ny1, 0.0)

    ct = candt_ref[0]
    x1c, y1c, x2c, y2c, offc = _decode_rows(
        ct[:, 0:1], ct[:, 1:2], ct[:, 2:3], ct[:, 3:4], ct[:, 4:5],
        ct[:, 5:6], ct[:, 6:7], ct[:, 7:8], ct[:, 8:9])
    nx1c, ny1c, nx2c, ny2c = x1c + offc, y1c + offc, x2c + offc, y2c + offc
    area_c = jnp.maximum(nx2c - nx1c, 0.0) * jnp.maximum(ny2c - ny1c, 0.0)

    for r0 in range(0, _KP, _RCHUNK):
        r1 = r0 + _RCHUNK
        ix1 = jnp.maximum(nx1c[r0:r1, :], nx1)
        iy1 = jnp.maximum(ny1c[r0:r1, :], ny1)
        ix2 = jnp.minimum(nx2c[r0:r1, :], nx2)
        iy2 = jnp.minimum(ny2c[r0:r1, :], ny2)
        inter = jnp.maximum(ix2 - ix1, 0.0) * jnp.maximum(iy2 - iy1, 0.0)
        union = area_c[r0:r1, :] + area_r - inter
        iou = inter / (union + 1e-9)
        a_ref[r0:r1, :] = jnp.where(iou > _NMS_THRESH, 1.0, 0.0)

    iot = lax.broadcasted_iota(jnp.int32, (1, _KP), 1)

    def body(i, keep):
        arow = a_ref[pl.ds(i, 1), :]
        sup = jnp.sum(arow * keep)
        kv = jnp.where(sup > 0.0, 0.0, 1.0)
        return jnp.where(iot == i, kv, keep)

    keep = lax.fori_loop(0, _TOPN, body, jnp.zeros((1, _KP), jnp.float32))
    out_ref[0, 4:5, :] = keep
    out_ref[0, 5:8, :] = jnp.zeros((3, _KP), jnp.float32)


def _run_nms(cand, candt, B):
    return pl.pallas_call(
        _nms_body,
        grid=(B,),
        in_specs=[
            pl.BlockSpec((1, 16, _KP), lambda b: (b, 0, 0)),
            pl.BlockSpec((1, _KP, 16), lambda b: (b, 0, 0)),
        ],
        out_specs=pl.BlockSpec((1, 8, _KP), lambda b: (b, 0, 0)),
        out_shape=jax.ShapeDtypeStruct((B, 8, _KP), jnp.float32),
        scratch_shapes=[pltpu.VMEM((_KP, _KP), jnp.float32)],
        compiler_params=pltpu.CompilerParams(
            dimension_semantics=("parallel",)),
    )(cand, candt)


def kernel(locations, pred_cls, pred_boxes, pred_centerness, image_sizes):
    B, H, W, C = pred_cls.shape
    N = H * W
    K = _TOPN
    cls3 = pred_cls.reshape(B, N, C)
    ctr3 = pred_centerness.reshape(B, N, 1)

    m_loc = _run_locmax(cls3, ctr3, B, N, C)[..., 0]
    _, lidx = lax.top_k(m_loc, _KP)
    lidx = jnp.sort(lidx, axis=1)

    clsg = jnp.take_along_axis(cls3, lidx[..., None], axis=1)
    ctrg = jnp.take_along_axis(ctr3[..., 0], lidx, axis=1)
    pbg = jnp.take_along_axis(
        pred_boxes.reshape(B, N, 4), lidx[..., None], axis=1)
    locg = locations[lidx]

    csg = jax.nn.sigmoid(clsg)
    sg = csg * jax.nn.sigmoid(ctrg)[:, :, None]
    sg = sg * (csg > _CONF).astype(sg.dtype)
    vals, sidx = lax.top_k(sg.reshape(B, _KP * C), K)
    row = sidx // C
    labels = (sidx % C) + 1
    labf = labels.astype(jnp.float32)
    pb = jnp.take_along_axis(pbg, row[..., None], axis=1)
    ploc = jnp.take_along_axis(locg, row[..., None], axis=1)
    hf = image_sizes[0, 0].astype(jnp.float32)
    wf = image_sizes[0, 1].astype(jnp.float32)

    pad = _KP - K
    rows = [ploc[..., 0], ploc[..., 1], pb[..., 0], pb[..., 1], pb[..., 2],
            pb[..., 3], labf]
    rows = [jnp.pad(r, ((0, 0), (0, pad)))[:, None, :] for r in rows]
    rows.append(jnp.broadcast_to(wf, (B, 1, _KP)))
    rows.append(jnp.broadcast_to(hf, (B, 1, _KP)))
    rows.append(jnp.zeros((B, 7, _KP), jnp.float32))
    cand = jnp.concatenate(rows, axis=1)
    candt = jnp.swapaxes(cand, 1, 2)

    out = _run_nms(cand, candt, B)
    det = jnp.swapaxes(out[:, 0:4, :K], 1, 2)
    keep = out[:, 4, :K]

    fsc = vals * keep
    fvals, fidx = lax.top_k(fsc, K)
    fdet = jnp.take_along_axis(det, fidx[..., None], axis=1)
    flab = jnp.take_along_axis(labf, fidx, axis=1)
    flab = flab * (fvals > 0).astype(jnp.float32)
    return jnp.concatenate([fdet, fvals[..., None], flab[..., None]], axis=2)

# --- scband reference (transcript-rebuilt; emitter-appended) ---
"""Pipeline reference for scband-get-detector-14216341750325 (READ-ONLY COPY).

The authoritative reference and input builder live on the scoring server;
editing this copy changes nothing except your own understanding.
"""

import jax, jax.numpy as jnp
import numpy as np
from jax import lax

CFG = {"NMS_thresh": 0.6, "conf_thres": 0.05, "nms_thresh_topN": 1000, "num_classes": 80}


def setup_inputs(seed: int = 0):
    key = jax.random.key(seed)
    k1, k2, k3, k4 = jax.random.split(key, 4)
    B, H, W, C = 2, 100, 100, 80
    locations = jax.random.uniform(k1, (H * W, 2), dtype=jnp.float32) * 800.0
    pred_cls = jax.random.normal(k2, (B, H, W, C), dtype=jnp.float32)
    pred_boxes = jax.random.uniform(k3, (B, H, W, 4), dtype=jnp.float32) * 64.0
    pred_centerness = jax.random.normal(k4, (B, H, W, 1), dtype=jnp.float32)
    image_sizes = jnp.array([[800, 800]], dtype=jnp.int32)
    return {"locations": locations, "pred_cls": pred_cls, "pred_boxes": pred_boxes,
            "pred_centerness": pred_centerness, "image_sizes": image_sizes}


def _iou_matrix(boxes):
    x1, y1, x2, y2 = boxes[:, 0], boxes[:, 1], boxes[:, 2], boxes[:, 3]
    area = jnp.clip(x2 - x1, 0.0) * jnp.clip(y2 - y1, 0.0)
    ix1 = jnp.maximum(x1[:, None], x1[None, :])
    iy1 = jnp.maximum(y1[:, None], y1[None, :])
    ix2 = jnp.minimum(x2[:, None], x2[None, :])
    iy2 = jnp.minimum(y2[:, None], y2[None, :])
    inter = jnp.clip(ix2 - ix1, 0.0) * jnp.clip(iy2 - iy1, 0.0)
    union = area[:, None] + area[None, :] - inter
    return inter / (union + 1e-9)


def _nms_keep(boxes, scores, thresh):
    # greedy hard NMS, fixed shape; returns keep mask in original order
    K = scores.shape[0]
    order = jnp.argsort(-scores)
    ious = _iou_matrix(boxes[order])
    idxs = jnp.arange(K)

    def body(keep, i):
        sup = jnp.any((ious[i] > thresh) & keep & (idxs < i))
        keep = keep.at[i].set(keep[i] & jnp.logical_not(sup))
        return keep, None

    keep, _ = lax.scan(body, jnp.ones((K,), dtype=bool), jnp.arange(K))
    return jnp.zeros((K,), dtype=bool).at[order].set(keep)


def reference(locations, pred_cls, pred_boxes, pred_centerness, image_sizes):
    B, H, W, C = pred_cls.shape
    N = H * W
    K = CFG["nms_thresh_topN"]
    cls = jax.nn.sigmoid(pred_cls.reshape(B, N, C))
    ctr = jax.nn.sigmoid(pred_centerness.reshape(B, N))
    scores = cls * ctr[:, :, None]
    scores = scores * (cls > CFG["conf_thres"]).astype(scores.dtype)
    h = image_sizes[0, 0].astype(jnp.float32)
    w = image_sizes[0, 1].astype(jnp.float32)
    box_flat = pred_boxes.reshape(B, N, 4)
    outs = []
    for b in range(B):
        vals, idx = lax.top_k(scores[b].reshape(-1), K)  # pre-NMS top-N over (loc, class)
        loc_idx = idx // C
        labels = (idx % C) + 1
        pb = box_flat[b][loc_idx]
        pl = locations[loc_idx]
        x1 = jnp.clip(pl[:, 0] - pb[:, 0], 0.0, w)
        y1 = jnp.clip(pl[:, 1] - pb[:, 1], 0.0, h)
        x2 = jnp.clip(pl[:, 0] + pb[:, 2], 0.0, w)
        y2 = jnp.clip(pl[:, 1] + pb[:, 3], 0.0, h)
        det = jnp.stack([x1, y1, x2, y2], axis=1)
        # class-offset trick == per-class NMS
        offs = labels.astype(det.dtype) * (jnp.maximum(w, h) + 1.0)
        keep = _nms_keep(lax.stop_gradient(det + offs[:, None]), lax.stop_gradient(vals), CFG["NMS_thresh"])
        fsc = vals * keep.astype(vals.dtype)
        fvals, fidx = lax.top_k(fsc, K)  # final topN cap (kthvalue threshold equivalent)
        fdet = det[fidx]
        flab = labels[fidx].astype(det.dtype) * (fvals > 0).astype(det.dtype)
        outs.append(jnp.concatenate([fdet, fvals[:, None], flab[:, None]], axis=1))
    return jnp.stack(outs, axis=0)  # [B, topN, 6] = (x1,y1,x2,y2,score,label)

if __name__ == "__main__":
    import jax
    _d = setup_inputs()
    print(jax.jit(kernel)(*tuple(_d.values())))

</pallas_src>

<mosaic_0001>
module attributes {stable_mosaic.version = 14 : i64} {
  func.func @_locmax_body(%arg0: i32, %arg1: memref<1x10000x80xf32, #tpu.memory_space<vmem>>, %arg2: memref<1x10000x1xf32, #tpu.memory_space<vmem>>, %arg3: memref<1x10000x1xf32, #tpu.memory_space<vmem>>) attributes {dimension_semantics = [#tpu.dimension_semantics<parallel>], iteration_bounds = array<i64: 2>, scalar_prefetch = 0 : i64, scratch_operands = 0 : i64, tpu.core_type = #tpu.core_type<tc>, window_params = [{transform_indices = @transform_0, window_bounds = array<i64: 1, 10000, 80>}, {transform_indices = @transform_1, window_bounds = array<i64: 1, 10000, 1>}, {transform_indices = @transform_2, window_bounds = array<i64: 1, 10000, 1>}]} {
    %get3A = arith.constant 0 : index
    %get3A_0 = arith.constant 0 : index
    %get3A_1 = arith.constant 0 : index
    %get3A_2 = vector.load %arg1[%get3A, %get3A_0, %get3A_1] : memref<1x10000x80xf32, #tpu.memory_space<vmem>>, vector<1x10000x80xf32>
    %get3A_3 = vector.shape_cast %get3A_2 : vector<1x10000x80xf32> to vector<10000x80xf32>
    %logistic3A = arith.negf %get3A_3 : vector<10000x80xf32>
    %logistic3A_4 = math.exp %logistic3A : vector<10000x80xf32>
    %logistic3A_5 = arith.constant 1.000000e+00 : f32
    %logistic3A_6 = vector.broadcast %logistic3A_5 : f32 to vector<10000x80xf32>
    %logistic3A_7 = arith.addf %logistic3A_6, %logistic3A_4 : vector<10000x80xf32>
    %logistic3A_8 = arith.divf %logistic3A_6, %logistic3A_7 : vector<10000x80xf32>
    %get3A_9 = arith.constant 0 : index
    %get3A_10 = arith.constant 0 : index
    %get3A_11 = arith.constant 0 : index
    %get3A_12 = vector.load %arg2[%get3A_9, %get3A_10, %get3A_11] : memref<1x10000x1xf32, #tpu.memory_space<vmem>>, vector<1x10000x1xf32>
    %get3A_13 = vector.shape_cast %get3A_12 : vector<1x10000x1xf32> to vector<10000x1xf32>
    %logistic3A_14 = arith.negf %get3A_13 : vector<10000x1xf32>
    %logistic3A_15 = math.exp %logistic3A_14 : vector<10000x1xf32>
    %logistic3A_16 = arith.constant 1.000000e+00 : f32
    %logistic3A_17 = vector.broadcast %logistic3A_16 : f32 to vector<10000x1xf32>
    %logistic3A_18 = arith.addf %logistic3A_17, %logistic3A_15 : vector<10000x1xf32>
    %logistic3A_19 = arith.divf %logistic3A_17, %logistic3A_18 : vector<10000x1xf32>
    %mul3A = vector.broadcast %logistic3A_19 : vector<10000x1xf32> to vector<10000x80xf32>
    %mul3A_20 = arith.mulf %logistic3A_8, %mul3A : vector<10000x80xf32>
    %gt3A = arith.constant 5.000000e-02 : f32
    %gt3A_21 = vector.broadcast %gt3A : f32 to vector<10000x80xf32>
    %gt3A_22 = arith.cmpf ogt, %logistic3A_8, %gt3A_21 : vector<10000x80xf32>
    %convert_element_type3A = arith.extui %gt3A_22 : vector<10000x80xi1> to vector<10000x80xi32>
    %convert_element_type3A_23 = arith.sitofp %convert_element_type3A : vector<10000x80xi32> to vector<10000x80xf32>
    %mul3A_24 = arith.mulf %mul3A_20, %convert_element_type3A_23 : vector<10000x80xf32>
    %reduce_max3A = arith.constant dense<0xFF800000> : vector<10000xf32>
    %reduce_max3A_25 = vector.multi_reduction <maximumf>, %mul3A_24, %reduce_max3A [1] : vector<10000x80xf32> to vector<10000xf32>
    %broadcast_in_dim3A = vector.shape_cast %reduce_max3A_25 : vector<10000xf32> to vector<10000x1xf32>
    %swap3A = arith.constant 0 : index
    %swap3A_26 = arith.constant 0 : index
    %swap3A_27 = arith.constant 0 : index
    %swap3A_28 = vector.load %arg3[%swap3A, %swap3A_26, %swap3A_27] : memref<1x10000x1xf32, #tpu.memory_space<vmem>>, vector<1x10000x1xf32>
    %swap3A_29 = vector.shape_cast %swap3A_28 : vector<1x10000x1xf32> to vector<10000x1xf32>
    %swap3A_30 = vector.shape_cast %broadcast_in_dim3A : vector<10000x1xf32> to vector<1x10000x1xf32>
    tpu.vector_store %arg3[%swap3A, %swap3A_26, %swap3A_27], %swap3A_30 {strides = array<i32>} : memref<1x10000x1xf32, #tpu.memory_space<vmem>>, vector<1x10000x1xf32>,
    return
  }
  func.func @transform_0(%arg0: i32) -> (i32, i32, i32) {
    %c0_i32 = arith.constant 0 : i32
    %c0_i32_0 = arith.constant 0 : i32
    %c0_i32_1 = arith.constant 0 : i32
    return %arg0, %c0_i32, %c0_i32_0 : i32, i32, i32
  }
  func.func @transform_1(%arg0: i32) -> (i32, i32, i32) {
    %c0_i32 = arith.constant 0 : i32
    %c0_i32_0 = arith.constant 0 : i32
    %c0_i32_1 = arith.constant 0 : i32
    return %arg0, %c0_i32, %c0_i32_0 : i32, i32, i32
  }
  func.func @transform_2(%arg0: i32) -> (i32, i32, i32) {
    %c0_i32 = arith.constant 0 : i32
    %c0_i32_0 = arith.constant 0 : i32
    %c0_i32_1 = arith.constant 0 : i32
    return %arg0, %c0_i32, %c0_i32_0 : i32, i32, i32
  }
}

module attributes {stable_mosaic.version = 14 : i64} {
  func.func @_nms_body(%arg0: i32, %arg1: memref<1x16x1024xf32, #tpu.memory_space<vmem>>, %arg2: memref<1x1024x16xf32, #tpu.memory_space<vmem>>, %arg3: memref<1x8x1024xf32, #tpu.memory_space<vmem>>, %arg4: memref<1024x1024xf32, #tpu.memory_space<vmem>>) attributes {dimension_semantics = [#tpu.dimension_semantics<parallel>], iteration_bounds = array<i64: 2>, scalar_prefetch = 0 : i64, scratch_operands = 1 : i64, tpu.core_type = #tpu.core_type<tc>, window_params = [{transform_indices = @transform_0, window_bounds = array<i64: 1, 16, 1024>}, {transform_indices = @transform_1, window_bounds = array<i64: 1, 1024, 16>}, {transform_indices = @transform_2, window_bounds = array<i64: 1, 8, 1024>}]} {
    %get3A = arith.constant 0 : index
    %get3A_0 = arith.constant 0 : index
    %get3A_1 = arith.constant 0 : index
    %get3A_2 = vector.load %arg1[%get3A, %get3A_0, %get3A_1] : memref<1x16x1024xf32, #tpu.memory_space<vmem>>, vector<1x16x1024xf32>
    %get3A_3 = vector.shape_cast %get3A_2 : vector<1x16x1024xf32> to vector<16x1024xf32>
    %slice3A = vector.extract_strided_slice %get3A_3 {offsets = [0, 0], sizes = [1, 1024], strides = [1, 1]} : vector<16x1024xf32> to vector<1x1024xf32>
    %slice3A_4 = vector.extract_strided_slice %get3A_3 {offsets = [1, 0], sizes = [1, 1024], strides = [1, 1]} : vector<16x1024xf32> to vector<1x1024xf32>
    %slice3A_5 = vector.extract_strided_slice %get3A_3 {offsets = [2, 0], sizes = [1, 1024], strides = [1, 1]} : vector<16x1024xf32> to vector<1x1024xf32>
    %slice3A_6 = vector.extract_strided_slice %get3A_3 {offsets = [3, 0], sizes = [1, 1024], strides = [1, 1]} : vector<16x1024xf32> to vector<1x1024xf32>
    %slice3A_7 = vector.extract_strided_slice %get3A_3 {offsets = [4, 0], sizes = [1, 1024], strides = [1, 1]} : vector<16x1024xf32> to vector<1x1024xf32>
    %slice3A_8 = vector.extract_strided_slice %get3A_3 {offsets = [5, 0], sizes = [1, 1024], strides = [1, 1]} : vector<16x1024xf32> to vector<1x1024xf32>
    %slice3A_9 = vector.extract_strided_slice %get3A_3 {offsets = [6, 0], sizes = [1, 1024], strides = [1, 1]} : vector<16x1024xf32> to vector<1x1024xf32>
    %slice3A_10 = vector.extract_strided_slice %get3A_3 {offsets = [7, 0], sizes = [1, 1024], strides = [1, 1]} : vector<16x1024xf32> to vector<1x1024xf32>
    %slice3A_11 = vector.extract_strided_slice %get3A_3 {offsets = [8, 0], sizes = [1, 1024], strides = [1, 1]} : vector<16x1024xf32> to vector<1x1024xf32>
    %sub3A = arith.subf %slice3A, %slice3A_5 : vector<1x1024xf32>
    %jit3A = arith.constant 0.000000e+00 : f32
    %max3A = vector.broadcast %jit3A : f32 to vector<1x1024xf32>
    %max3A_12 = arith.maximumf %max3A, %sub3A : vector<1x1024xf32>
    %min3A = arith.minimumf %slice3A_10, %max3A_12 : vector<1x1024xf32>
    %sub3A_13 = arith.subf %slice3A_4, %slice3A_6 : vector<1x1024xf32>
    %jit3A_14 = arith.constant 0.000000e+00 : f32
    %max3A_15 = vector.broadcast %jit3A_14 : f32 to vector<1x1024xf32>
    %max3A_16 = arith.maximumf %max3A_15, %sub3A_13 : vector<1x1024xf32>
    %min3A_17 = arith.minimumf %slice3A_11, %max3A_16 : vector<1x1024xf32>
    %add3A = arith.addf %slice3A, %slice3A_7 : vector<1x1024xf32>
    %jit3A_18 = arith.constant 0.000000e+00 : f32
    %max3A_19 = vector.broadcast %jit3A_18 : f32 to vector<1x1024xf32>
    %max3A_20 = arith.maximumf %max3A_19, %add3A : vector<1x1024xf32>
    %min3A_21 = arith.minimumf %slice3A_10, %max3A_20 : vector<1x1024xf32>
    %add3A_22 = arith.addf %slice3A_4, %slice3A_8 : vector<1x1024xf32>
    %jit3A_23 = arith.constant 0.000000e+00 : f32
    %max3A_24 = vector.broadcast %jit3A_23 : f32 to vector<1x1024xf32>
    %max3A_25 = arith.maximumf %max3A_24, %add3A_22 : vector<1x1024xf32>
    %min3A_26 = arith.minimumf %slice3A_11, %max3A_25 : vector<1x1024xf32>
    %max3A_27 = arith.maximumf %slice3A_10, %slice3A_11 : vector<1x1024xf32>
    %add3A_28 = arith.constant 1.000000e+00 : f32
    %add3A_29 = vector.broadcast %add3A_28 : f32 to vector<1x1024xf32>
    %add3A_30 = arith.addf %max3A_27, %add3A_29 : vector<1x1024xf32>
    %mul3A = arith.mulf %slice3A_9, %add3A_30 : vector<1x1024xf32>
    %swap3A = arith.constant 0 : index
    %swap3A_31 = arith.constant 0 : index
    %swap3A_32 = arith.constant 0 : index
    %swap3A_33 = vector.load %arg3[%swap3A, %swap3A_31, %swap3A_32] : memref<1x8x1024xf32, #tpu.memory_space<vmem>>, vector<1x1x1024xf32>
    %swap3A_34 = vector.shape_cast %swap3A_33 : vector<1x1x1024xf32> to vector<1x1024xf32>
    %swap3A_35 = vector.shape_cast %min3A : vector<1x1024xf32> to vector<1x1x1024xf32>
    tpu.vector_store %arg3[%swap3A, %swap3A_31, %swap3A_32], %swap3A_35 {strides = array<i32>} : memref<1x8x1024xf32, #tpu.memory_space<vmem>>, vector<1x1x1024xf32>,
    %swap3A_36 = arith.constant 0 : index
    %swap3A_37 = arith.constant 1 : index
    %swap3A_38 = arith.constant 0 : index
    %swap3A_39 = vector.load %arg3[%swap3A_36, %swap3A_37, %swap3A_38] : memref<1x8x1024xf32, #tpu.memory_space<vmem>>, vector<1x1x1024xf32>
    %swap3A_40 = vector.shape_cast %swap3A_39 : vector<1x1x1024xf32> to vector<1x1024xf32>
    %swap3A_41 = vector.shape_cast %min3A_17 : vector<1x1024xf32> to vector<1x1x1024xf32>
    tpu.vector_store %arg3[%swap3A_36, %swap3A_37, %swap3A_38], %swap3A_41 {strides = array<i32>} : memref<1x8x1024xf32, #tpu.memory_space<vmem>>, vector<1x1x1024xf32>,
    %swap3A_42 = arith.constant 0 : index
    %swap3A_43 = arith.constant 2 : index
    %swap3A_44 = arith.constant 0 : index
    %swap3A_45 = vector.load %arg3[%swap3A_42, %swap3A_43, %swap3A_44] : memref<1x8x1024xf32, #tpu.memory_space<vmem>>, vector<1x1x1024xf32>
    %swap3A_46 = vector.shape_cast %swap3A_45 : vector<1x1x1024xf32> to vector<1x1024xf32>
    %swap3A_47 = vector.shape_cast %min3A_21 : vector<1x1024xf32> to vector<1x1x1024xf32>
    tpu.vector_store %arg3[%swap3A_42, %swap3A_43, %swap3A_44], %swap3A_47 {strides = array<i32>} : memref<1x8x1024xf32, #tpu.memory_space<vmem>>, vector<1x1x1024xf32>,
    %swap3A_48 = arith.constant 0 : index
    %swap3A_49 = arith.constant 3 : index
    %swap3A_50 = arith.constant 0 : index
    %swap3A_51 = vector.load %arg3[%swap3A_48, %swap3A_49, %swap3A_50] : memref<1x8x1024xf32, #tpu.memory_space<vmem>>, vector<1x1x1024xf32>
    %swap3A_52 = vector.shape_cast %swap3A_51 : vector<1x1x1024xf32> to vector<1x1024xf32>
    %swap3A_53 = vector.shape_cast %min3A_26 : vector<1x1024xf32> to vector<1x1x1024xf32>
    tpu.vector_store %arg3[%swap3A_48, %swap3A_49, %swap3A_50], %swap3A_53 {strides = array<i32>} : memref<1x8x1024xf32, #tpu.memory_space<vmem>>, vector<1x1x1024xf32>,
    %add3A_54 = arith.addf %min3A, %mul3A : vector<1x1024xf32>
    %add3A_55 = arith.addf %min3A_17, %mul3A : vector<1x1024xf32>
    %add3A_56 = arith.addf %min3A_21, %mul3A : vector<1x1024xf32>
    %add3A_57 = arith.addf %min3A_26, %mul3A : vector<1x1024xf32>
    %sub3A_58 = arith.subf %add3A_56, %add3A_54 : vector<1x1024xf32>
    %max3A_59 = arith.constant 0.000000e+00 : f32
    %max3A_60 = vector.broadcast %max3A_59 : f32 to vector<1x1024xf32>
    %max3A_61 = arith.maximumf %sub3A_58, %max3A_60 : vector<1x1024xf32>
    %sub3A_62 = arith.subf %add3A_57, %add3A_55 : vector<1x1024xf32>
    %max3A_63 = arith.constant 0.000000e+00 : f32
    %max3A_64 = vector.broadcast %max3A_63 : f32 to vector<1x1024xf32>
    %max3A_65 = arith.maximumf %sub3A_62, %max3A_64 : vector<1x1024xf32>
    %mul3A_66 = arith.mulf %max3A_61, %max3A_65 : vector<1x1024xf32>
    %get3A_67 = arith.constant 0 : index
    %get3A_68 = arith.constant 0 : index
    %get3A_69 = arith.constant 0 : index
    %get3A_70 = vector.load %arg2[%get3A_67, %get3A_68, %get3A_69] : memref<1x1024x16xf32, #tpu.memory_space<vmem>>, vector<1x1024x16xf32>
    %get3A_71 = vector.shape_cast %get3A_70 : vector<1x1024x16xf32> to vector<1024x16xf32>
    %slice3A_72 = vector.extract_strided_slice %get3A_71 {offsets = [0, 0], sizes = [1024, 1], strides = [1, 1]} : vector<1024x16xf32> to vector<1024x1xf32>
    %slice3A_73 = vector.extract_strided_slice %get3A_71 {offsets = [0, 1], sizes = [1024, 1], strides = [1, 1]} : vector<1024x16xf32> to vector<1024x1xf32>
    %slice3A_74 = vector.extract_strided_slice %get3A_71 {offsets = [0, 2], sizes = [1024, 1], strides = [1, 1]} : vector<1024x16xf32> to vector<1024x1xf32>
    %slice3A_75 = vector.extract_strided_slice %get3A_71 {offsets = [0, 3], sizes = [1024, 1], strides = [1, 1]} : vector<1024x16xf32> to vector<1024x1xf32>
    %slice3A_76 = vector.extract_strided_slice %get3A_71 {offsets = [0, 4], sizes = [1024, 1], strides = [1, 1]} : vector<1024x16xf32> to vector<1024x1xf32>
    %slice3A_77 = vector.extract_strided_slice %get3A_71 {offsets = [0, 5], sizes = [1024, 1], strides = [1, 1]} : vector<1024x16xf32> to vector<1024x1xf32>
    %slice3A_78 = vector.extract_strided_slice %get3A_71 {offsets = [0, 6], sizes = [1024, 1], strides = [1, 1]} : vector<1024x16xf32> to vector<1024x1xf32>
    %slice3A_79 = vector.extract_strided_slice %get3A_71 {offsets = [0, 7], sizes = [1024, 1], strides = [1, 1]} : vector<1024x16xf32> to vector<1024x1xf32>
    %slice3A_80 = vector.extract_strided_slice %get3A_71 {offsets = [0, 8], sizes = [1024, 1], strides = [1, 1]} : vector<1024x16xf32> to vector<1024x1xf32>
    %sub3A_81 = arith.subf %slice3A_72, %slice3A_74 : vector<1024x1xf32>
    %jit3A_82 = arith.constant 0.000000e+00 : f32
    %max3A_83 = vector.broadcast %jit3A_82 : f32 to vector<1024x1xf32>
    %max3A_84 = arith.maximumf %max3A_83, %sub3A_81 : vector<1024x1xf32>
    %min3A_85 = arith.minimumf %slice3A_79, %max3A_84 : vector<1024x1xf32>
    %sub3A_86 = arith.subf %slice3A_73, %slice3A_75 : vector<1024x1xf32>
    %jit3A_87 = arith.constant 0.000000e+00 : f32
    %max3A_88 = vector.broadcast %jit3A_87 : f32 to vector<1024x1xf32>
    %max3A_89 = arith.maximumf %max3A_88, %sub3A_86 : vector<1024x1xf32>
    %min3A_90 = arith.minimumf %slice3A_80, %max3A_89 : vector<1024x1xf32>
    %add3A_91 = arith.addf %slice3A_72, %slice3A_76 : vector<1024x1xf32>
    %jit3A_92 = arith.constant 0.000000e+00 : f32
    %max3A_93 = vector.broadcast %jit3A_92 : f32 to vector<1024x1xf32>
    %max3A_94 = arith.maximumf %max3A_93, %add3A_91 : vector<1024x1xf32>
    %min3A_95 = arith.minimumf %slice3A_79, %max3A_94 : vector<1024x1xf32>
    %add3A_96 = arith.addf %slice3A_73, %slice3A_77 : vector<1024x1xf32>
    %jit3A_97 = arith.constant 0.000000e+00 : f32
    %max3A_98 = vector.broadcast %jit3A_97 : f32 to vector<1024x1xf32>
    %max3A_99 = arith.maximumf %max3A_98, %add3A_96 : vector<1024x1xf32>
    %min3A_100 = arith.minimumf %slice3A_80, %max3A_99 : vector<1024x1xf32>
    %max3A_101 = arith.maximumf %slice3A_79, %slice3A_80 : vector<1024x1xf32>
    %add3A_102 = arith.constant 1.000000e+00 : f32
    %add3A_103 = vector.broadcast %add3A_102 : f32 to vector<1024x1xf32>
    %add3A_104 = arith.addf %max3A_101, %add3A_103 : vector<1024x1xf32>
    %mul3A_105 = arith.mulf %slice3A_78, %add3A_104 : vector<1024x1xf32>
    %add3A_106 = arith.addf %min3A_85, %mul3A_105 : vector<1024x1xf32>
    %add3A_107 = arith.addf %min3A_90, %mul3A_105 : vector<1024x1xf32>
    %add3A_108 = arith.addf %min3A_95, %mul3A_105 : vector<1024x1xf32>
    %add3A_109 = arith.addf %min3A_100, %mul3A_105 : vector<1024x1xf32>
    %sub3A_110 = arith.subf %add3A_108, %add3A_106 : vector<1024x1xf32>
    %max3A_111 = arith.constant 0.000000e+00 : f32
    %max3A_112 = vector.broadcast %max3A_111 : f32 to vector<1024x1xf32>
    %max3A_113 = arith.maximumf %sub3A_110, %max3A_112 : vector<1024x1xf32>
    %sub3A_114 = arith.subf %add3A_109, %add3A_107 : vector<1024x1xf32>
    %max3A_115 = arith.constant 0.000000e+00 : f32
    %max3A_116 = vector.broadcast %max3A_115 : f32 to vector<1024x1xf32>
    %max3A_117 = arith.maximumf %sub3A_114, %max3A_116 : vector<1024x1xf32>
    %mul3A_118 = arith.mulf %max3A_113, %max3A_117 : vector<1024x1xf32>
    %slice3A_119 = vector.extract_strided_slice %add3A_106 {offsets = [0, 0], sizes = [256, 1], strides = [1, 1]} : vector<1024x1xf32> to vector<256x1xf32>
    %max3A_120 = vector.broadcast %slice3A_119 : vector<256x1xf32> to vector<256x1024xf32>
    %max3A_121 = vector.broadcast %add3A_54 : vector<1x1024xf32> to vector<256x1024xf32>
    %max3A_122 = arith.maximumf %max3A_120, %max3A_121 : vector<256x1024xf32>
    %slice3A_123 = vector.extract_strided_slice %add3A_107 {offsets = [0, 0], sizes = [256, 1], strides = [1, 1]} : vector<1024x1xf32> to vector<256x1xf32>
    %max3A_124 = vector.broadcast %slice3A_123 : vector<256x1xf32> to vector<256x1024xf32>
    %max3A_125 = vector.broadcast %add3A_55 : vector<1x1024xf32> to vector<256x1024xf32>
    %max3A_126 = arith.maximumf %max3A_124, %max3A_125 : vector<256x1024xf32>
    %slice3A_127 = vector.extract_strided_slice %add3A_108 {offsets = [0, 0], sizes = [256, 1], strides = [1, 1]} : vector<1024x1xf32> to vector<256x1xf32>
    %min3A_128 = vector.broadcast %slice3A_127 : vector<256x1xf32> to vector<256x1024xf32>
    %min3A_129 = vector.broadcast %add3A_56 : vector<1x1024xf32> to vector<256x1024xf32>
    %min3A_130 = arith.minimumf %min3A_128, %min3A_129 : vector<256x1024xf32>
    %slice3A_131 = vector.extract_strided_slice %add3A_109 {offsets = [0, 0], sizes = [256, 1], strides = [1, 1]} : vector<1024x1xf32> to vector<256x1xf32>
    %min3A_132 = vector.broadcast %slice3A_131 : vector<256x1xf32> to vector<256x1024xf32>
    %min3A_133 = vector.broadcast %add3A_57 : vector<1x1024xf32> to vector<256x1024xf32>
    %min3A_134 = arith.minimumf %min3A_132, %min3A_133 : vector<256x1024xf32>
    %sub3A_135 = arith.subf %min3A_130, %max3A_122 : vector<256x1024xf32>
    %max3A_136 = arith.constant 0.000000e+00 : f32
    %max3A_137 = vector.broadcast %max3A_136 : f32 to vector<256x1024xf32>
    %max3A_138 = arith.maximumf %sub3A_135, %max3A_137 : vector<256x1024xf32>
    %sub3A_139 = arith.subf %min3A_134, %max3A_126 : vector<256x1024xf32>
    %max3A_140 = arith.constant 0.000000e+00 : f32
    %max3A_141 = vector.broadcast %max3A_140 : f32 to vector<256x1024xf32>
    %max3A_142 = arith.maximumf %sub3A_139, %max3A_141 : vector<256x1024xf32>
    %mul3A_143 = arith.mulf %max3A_138, %max3A_142 : vector<256x1024xf32>
    %slice3A_144 = vector.extract_strided_slice %mul3A_118 {offsets = [0, 0], sizes = [256, 1], strides = [1, 1]} : vector<1024x1xf32> to vector<256x1xf32>
    %add3A_145 = vector.broadcast %slice3A_144 : vector<256x1xf32> to vector<256x1024xf32>
    %add3A_146 = vector.broadcast %mul3A_66 : vector<1x1024xf32> to vector<256x1024xf32>
    %add3A_147 = arith.addf %add3A_145, %add3A_146 : vector<256x1024xf32>
    %sub3A_148 = arith.subf %add3A_147, %mul3A_143 : vector<256x1024xf32>
    %add3A_149 = arith.constant 9.99999971E-10 : f32
    %add3A_150 = vector.broadcast %add3A_149 : f32 to vector<256x1024xf32>
    %add3A_151 = arith.addf %sub3A_148, %add3A_150 : vector<256x1024xf32>
    %div3A = arith.divf %mul3A_143, %add3A_151 : vector<256x1024xf32>
    %gt3A = arith.constant 6.000000e-01 : f32
    %gt3A_152 = vector.broadcast %gt3A : f32 to vector<256x1024xf32>
    %gt3A_153 = arith.cmpf ogt, %div3A, %gt3A_152 : vector<256x1024xf32>
    %jit3A_154 = arith.constant 1.000000e+00 : f32
    %jit3A_155 = arith.constant 0.000000e+00 : f32
    %broadcast_in_dim3A = vector.broadcast %jit3A_154 : f32 to vector<256x1024xf32>
    %broadcast_in_dim3A_156 = vector.broadcast %jit3A_155 : f32 to vector<256x1024xf32>
    %select_n3A = arith.select %gt3A_153, %broadcast_in_dim3A, %broadcast_in_dim3A_156 : vector<256x1024xi1>, vector<256x1024xf32>
    %swap3A_157 = arith.constant 0 : index
    %swap3A_158 = arith.constant 0 : index
    %swap3A_159 = vector.load %arg4[%swap3A_157, %swap3A_158] : memref<1024x1024xf32, #tpu.memory_space<vmem>>, vector<256x1024xf32>
    tpu.vector_store %arg4[%swap3A_157, %swap3A_158], %select_n3A {strides = array<i32>} : memref<1024x1024xf32, #tpu.memory_space<vmem>>, vector<256x1024xf32>,
    %slice3A_160 = vector.extract_strided_slice %add3A_106 {offsets = [256, 0], sizes = [256, 1], strides = [1, 1]} : vector<1024x1xf32> to vector<256x1xf32>
    %max3A_161 = vector.broadcast %slice3A_160 : vector<256x1xf32> to vector<256x1024xf32>
    %max3A_162 = vector.broadcast %add3A_54 : vector<1x1024xf32> to vector<256x1024xf32>
    %max3A_163 = arith.maximumf %max3A_161, %max3A_162 : vector<256x1024xf32>
    %slice3A_164 = vector.extract_strided_slice %add3A_107 {offsets = [256, 0], sizes = [256, 1], strides = [1, 1]} : vector<1024x1xf32> to vector<256x1xf32>
    %max3A_165 = vector.broadcast %slice3A_164 : vector<256x1xf32> to vector<256x1024xf32>
    %max3A_166 = vector.broadcast %add3A_55 : vector<1x1024xf32> to vector<256x1024xf32>
    %max3A_167 = arith.maximumf %max3A_165, %max3A_166 : vector<256x1024xf32>
    %slice3A_168 = vector.extract_strided_slice %add3A_108 {offsets = [256, 0], sizes = [256, 1], strides = [1, 1]} : vector<1024x1xf32> to vector<256x1xf32>
    %min3A_169 = vector.broadcast %slice3A_168 : vector<256x1xf32> to vector<256x1024xf32>
    %min3A_170 = vector.broadcast %add3A_56 : vector<1x1024xf32> to vector<256x1024xf32>
    %min3A_171 = arith.minimumf %min3A_169, %min3A_170 : vector<256x1024xf32>
    %slice3A_172 = vector.extract_strided_slice %add3A_109 {offsets = [256, 0], sizes = [256, 1], strides = [1, 1]} : vector<1024x1xf32> to vector<256x1xf32>
    %min3A_173 = vector.broadcast %slice3A_172 : vector<256x1xf32> to vector<256x1024xf32>
    %min3A_174 = vector.broadcast %add3A_57 : vector<1x1024xf32> to vector<256x1024xf32>
    %min3A_175 = arith.minimumf %min3A_173, %min3A_174 : vector<256x1024xf32>
    %sub3A_176 = arith.subf %min3A_171, %max3A_163 : vector<256x1024xf32>
    %max3A_177 = arith.constant 0.000000e+00 : f32
    %max3A_178 = vector.broadcast %max3A_177 : f32 to vector<256x1024xf32>
    %max3A_179 = arith.maximumf %sub3A_176, %max3A_178 : vector<256x1024xf32>
    %sub3A_180 = arith.subf %min3A_175, %max3A_167 : vector<256x1024xf32>
    %max3A_181 = arith.constant 0.000000e+00 : f32
    %max3A_182 = vector.broadcast %max3A_181 : f32 to vector<256x1024xf32>
    %max3A_183 = arith.maximumf %sub3A_180, %max3A_182 : vector<256x1024xf32>
    %mul3A_184 = arith.mulf %max3A_179, %max3A_183 : vector<256x1024xf32>
    %slice3A_185 = vector.extract_strided_slice %mul3A_118 {offsets = [256, 0], sizes = [256, 1], strides = [1, 1]} : vector<1024x1xf32> to vector<256x1xf32>
    %add3A_186 = vector.broadcast %slice3A_185 : vector<256x1xf32> to vector<256x1024xf32>
    %add3A_187 = vector.broadcast %mul3A_66 : vector<1x1024xf32> to vector<256x1024xf32>
    %add3A_188 = arith.addf %add3A_186, %add3A_187 : vector<256x1024xf32>
    %sub3A_189 = arith.subf %add3A_188, %mul3A_184 : vector<256x1024xf32>
    %add3A_190 = arith.constant 9.99999971E-10 : f32
    %add3A_191 = vector.broadcast %add3A_190 : f32 to vector<256x1024xf32>
    %add3A_192 = arith.addf %sub3A_189, %add3A_191 : vector<256x1024xf32>
    %div3A_193 = arith.divf %mul3A_184, %add3A_192 : vector<256x1024xf32>
    %gt3A_194 = arith.constant 6.000000e-01 : f32
    %gt3A_195 = vector.broadcast %gt3A_194 : f32 to vector<256x1024xf32>
    %gt3A_196 = arith.cmpf ogt, %div3A_193, %gt3A_195 : vector<256x1024xf32>
    %jit3A_197 = arith.constant 1.000000e+00 : f32
    %jit3A_198 = arith.constant 0.000000e+00 : f32
    %broadcast_in_dim3A_199 = vector.broadcast %jit3A_197 : f32 to vector<256x1024xf32>
    %broadcast_in_dim3A_200 = vector.broadcast %jit3A_198 : f32 to vector<256x1024xf32>
    %select_n3A_201 = arith.select %gt3A_196, %broadcast_in_dim3A_199, %broadcast_in_dim3A_200 : vector<256x1024xi1>, vector<256x1024xf32>
    %swap3A_202 = arith.constant 256 : index
    %swap3A_203 = arith.constant 0 : index
    %swap3A_204 = vector.load %arg4[%swap3A_202, %swap3A_203] : memref<1024x1024xf32, #tpu.memory_space<vmem>>, vector<256x1024xf32>
    tpu.vector_store %arg4[%swap3A_202, %swap3A_203], %select_n3A_201 {strides = array<i32>} : memref<1024x1024xf32, #tpu.memory_space<vmem>>, vector<256x1024xf32>,
    %slice3A_205 = vector.extract_strided_slice %add3A_106 {offsets = [512, 0], sizes = [256, 1], strides = [1, 1]} : vector<1024x1xf32> to vector<256x1xf32>
    %max3A_206 = vector.broadcast %slice3A_205 : vector<256x1xf32> to vector<256x1024xf32>
    %max3A_207 = vector.broadcast %add3A_54 : vector<1x1024xf32> to vector<256x1024xf32>
    %max3A_208 = arith.maximumf %max3A_206, %max3A_207 : vector<256x1024xf32>
    %slice3A_209 = vector.extract_strided_slice %add3A_107 {offsets = [512, 0], sizes = [256, 1], strides = [1, 1]} : vector<1024x1xf32> to vector<256x1xf32>
    %max3A_210 = vector.broadcast %slice3A_209 : vector<256x1xf32> to vector<256x1024xf32>
    %max3A_211 = vector.broadcast %add3A_55 : vector<1x1024xf32> to vector<256x1024xf32>
    %max3A_212 = arith.maximumf %max3A_210, %max3A_211 : vector<256x1024xf32>
    %slice3A_213 = vector.extract_strided_slice %add3A_108 {offsets = [512, 0], sizes = [256, 1], strides = [1, 1]} : vector<1024x1xf32> to vector<256x1xf32>
    %min3A_214 = vector.broadcast %slice3A_213 : vector<256x1xf32> to vector<256x1024xf32>
    %min3A_215 = vector.broadcast %add3A_56 : vector<1x1024xf32> to vector<256x1024xf32>
    %min3A_216 = arith.minimumf %min3A_214, %min3A_215 : vector<256x1024xf32>
    %slice3A_217 = vector.extract_strided_slice %add3A_109 {offsets = [512, 0], sizes = [256, 1], strides = [1, 1]} : vector<1024x1xf32> to vector<256x1xf32>
    %min3A_218 = vector.broadcast %slice3A_217 : vector<256x1xf32> to vector<256x1024xf32>
    %min3A_219 = vector.broadcast %add3A_57 : vector<1x1024xf32> to vector<256x1024xf32>
    %min3A_220 = arith.minimumf %min3A_218, %min3A_219 : vector<256x1024xf32>
    %sub3A_221 = arith.subf %min3A_216, %max3A_208 : vector<256x1024xf32>
    %max3A_222 = arith.constant 0.000000e+00 : f32
    %max3A_223 = vector.broadcast %max3A_222 : f32 to vector<256x1024xf32>
    %max3A_224 = arith.maximumf %sub3A_221, %max3A_223 : vector<256x1024xf32>
    %sub3A_225 = arith.subf %min3A_220, %max3A_212 : vector<256x1024xf32>
    %max3A_226 = arith.constant 0.000000e+00 : f32
    %max3A_227 = vector.broadcast %max3A_226 : f32 to vector<256x1024xf32>
    %max3A_228 = arith.maximumf %sub3A_225, %max3A_227 : vector<256x1024xf32>
    %mul3A_229 = arith.mulf %max3A_224, %max3A_228 : vector<256x1024xf32>
    %slice3A_230 = vector.extract_strided_slice %mul3A_118 {offsets = [512, 0], sizes = [256, 1], strides = [1, 1]} : vector<1024x1xf32> to vector<256x1xf32>
    %add3A_231 = vector.broadcast %slice3A_230 : vector<256x1xf32> to vector<256x1024xf32>
    %add3A_232 = vector.broadcast %mul3A_66 : vector<1x1024xf32> to vector<256x1024xf32>
    %add3A_233 = arith.addf %add3A_231, %add3A_232 : vector<256x1024xf32>
    %sub3A_234 = arith.subf %add3A_233, %mul3A_229 : vector<256x1024xf32>
    %add3A_235 = arith.constant 9.99999971E-10 : f32
    %add3A_236 = vector.broadcast %add3A_235 : f32 to vector<256x1024xf32>
    %add3A_237 = arith.addf %sub3A_234, %add3A_236 : vector<256x1024xf32>
    %div3A_238 = arith.divf %mul3A_229, %add3A_237 : vector<256x1024xf32>
    %gt3A_239 = arith.constant 6.000000e-01 : f32
    %gt3A_240 = vector.broadcast %gt3A_239 : f32 to vector<256x1024xf32>
    %gt3A_241 = arith.cmpf ogt, %div3A_238, %gt3A_240 : vector<256x1024xf32>
    %jit3A_242 = arith.constant 1.000000e+00 : f32
    %jit3A_243 = arith.constant 0.000000e+00 : f32
    %broadcast_in_dim3A_244 = vector.broadcast %jit3A_242 : f32 to vector<256x1024xf32>
    %broadcast_in_dim3A_245 = vector.broadcast %jit3A_243 : f32 to vector<256x1024xf32>
    %select_n3A_246 = arith.select %gt3A_241, %broadcast_in_dim3A_244, %broadcast_in_dim3A_245 : vector<256x1024xi1>, vector<256x1024xf32>
    %swap3A_247 = arith.constant 512 : index
    %swap3A_248 = arith.constant 0 : index
    %swap3A_249 = vector.load %arg4[%swap3A_247, %swap3A_248] : memref<1024x1024xf32, #tpu.memory_space<vmem>>, vector<256x1024xf32>
    tpu.vector_store %arg4[%swap3A_247, %swap3A_248], %select_n3A_246 {strides = array<i32>} : memref<1024x1024xf32, #tpu.memory_space<vmem>>, vector<256x1024xf32>,
    %slice3A_250 = vector.extract_strided_slice %add3A_106 {offsets = [768, 0], sizes = [256, 1], strides = [1, 1]} : vector<1024x1xf32> to vector<256x1xf32>
    %max3A_251 = vector.broadcast %slice3A_250 : vector<256x1xf32> to vector<256x1024xf32>
    %max3A_252 = vector.broadcast %add3A_54 : vector<1x1024xf32> to vector<256x1024xf32>
    %max3A_253 = arith.maximumf %max3A_251, %max3A_252 : vector<256x1024xf32>
    %slice3A_254 = vector.extract_strided_slice %add3A_107 {offsets = [768, 0], sizes = [256, 1], strides = [1, 1]} : vector<1024x1xf32> to vector<256x1xf32>
    %max3A_255 = vector.broadcast %slice3A_254 : vector<256x1xf32> to vector<256x1024xf32>
    %max3A_256 = vector.broadcast %add3A_55 : vector<1x1024xf32> to vector<256x1024xf32>
    %max3A_257 = arith.maximumf %max3A_255, %max3A_256 : vector<256x1024xf32>
    %slice3A_258 = vector.extract_strided_slice %add3A_108 {offsets = [768, 0], sizes = [256, 1], strides = [1, 1]} : vector<1024x1xf32> to vector<256x1xf32>
    %min3A_259 = vector.broadcast %slice3A_258 : vector<256x1xf32> to vector<256x1024xf32>
    %min3A_260 = vector.broadcast %add3A_56 : vector<1x1024xf32> to vector<256x1024xf32>
    %min3A_261 = arith.minimumf %min3A_259, %min3A_260 : vector<256x1024xf32>
    %slice3A_262 = vector.extract_strided_slice %add3A_109 {offsets = [768, 0], sizes = [256, 1], strides = [1, 1]} : vector<1024x1xf32> to vector<256x1xf32>
    %min3A_263 = vector.broadcast %slice3A_262 : vector<256x1xf32> to vector<256x1024xf32>
    %min3A_264 = vector.broadcast %add3A_57 : vector<1x1024xf32> to vector<256x1024xf32>
    %min3A_265 = arith.minimumf %min3A_263, %min3A_264 : vector<256x1024xf32>
    %sub3A_266 = arith.subf %min3A_261, %max3A_253 : vector<256x1024xf32>
    %max3A_267 = arith.constant 0.000000e+00 : f32
    %max3A_268 = vector.broadcast %max3A_267 : f32 to vector<256x1024xf32>
    %max3A_269 = arith.maximumf %sub3A_266, %max3A_268 : vector<256x1024xf32>
    %sub3A_270 = arith.subf %min3A_265, %max3A_257 : vector<256x1024xf32>
    %max3A_271 = arith.constant 0.000000e+00 : f32
    %max3A_272 = vector.broadcast %max3A_271 : f32 to vector<256x1024xf32>
    %max3A_273 = arith.maximumf %sub3A_270, %max3A_272 : vector<256x1024xf32>
    %mul3A_274 = arith.mulf %max3A_269, %max3A_273 : vector<256x1024xf32>
    %slice3A_275 = vector.extract_strided_slice %mul3A_118 {offsets = [768, 0], sizes = [256, 1], strides = [1, 1]} : vector<1024x1xf32> to vector<256x1xf32>
    %add3A_276 = vector.broadcast %slice3A_275 : vector<256x1xf32> to vector<256x1024xf32>
    %add3A_277 = vector.broadcast %mul3A_66 : vector<1x1024xf32> to vector<256x1024xf32>
    %add3A_278 = arith.addf %add3A_276, %add3A_277 : vector<256x1024xf32>
    %sub3A_279 = arith.subf %add3A_278, %mul3A_274 : vector<256x1024xf32>
    %add3A_280 = arith.constant 9.99999971E-10 : f32
    %add3A_281 = vector.broadcast %add3A_280 : f32 to vector<256x1024xf32>
    %add3A_282 = arith.addf %sub3A_279, %add3A_281 : vector<256x1024xf32>
    %div3A_283 = arith.divf %mul3A_274, %add3A_282 : vector<256x1024xf32>
    %gt3A_284 = arith.constant 6.000000e-01 : f32
    %gt3A_285 = vector.broadcast %gt3A_284 : f32 to vector<256x1024xf32>
    %gt3A_286 = arith.cmpf ogt, %div3A_283, %gt3A_285 : vector<256x1024xf32>
    %jit3A_287 = arith.constant 1.000000e+00 : f32
    %jit3A_288 = arith.constant 0.000000e+00 : f32
    %broadcast_in_dim3A_289 = vector.broadcast %jit3A_287 : f32 to vector<256x1024xf32>
    %broadcast_in_dim3A_290 = vector.broadcast %jit3A_288 : f32 to vector<256x1024xf32>
    %select_n3A_291 = arith.select %gt3A_286, %broadcast_in_dim3A_289, %broadcast_in_dim3A_290 : vector<256x1024xi1>, vector<256x1024xf32>
    %swap3A_292 = arith.constant 768 : index
    %swap3A_293 = arith.constant 0 : index
    %swap3A_294 = vector.load %arg4[%swap3A_292, %swap3A_293] : memref<1024x1024xf32, #tpu.memory_space<vmem>>, vector<256x1024xf32>
    tpu.vector_store %arg4[%swap3A_292, %swap3A_293], %select_n3A_291 {strides = array<i32>} : memref<1024x1024xf32, #tpu.memory_space<vmem>>, vector<256x1024xf32>,
    %iota3A = tpu.iota {dimensions = array<i32: 1>} : vector<1x1024xi32>
    %broadcast_in_dim3A_295 = arith.constant 0.000000e+00 : f32
    %broadcast_in_dim3A_296 = vector.broadcast %broadcast_in_dim3A_295 : f32 to vector<1x1024xf32>
    %scan3A = arith.constant 0 : i32
    %scan3A_297 = arith.constant 1000 : i32
    %scan3A_298 = arith.addi %scan3A, %scan3A_297 : i32
    %scan3A_299 = arith.constant 1 : i32
    %scan3A_300 = scf.for %scan3A_316 = %scan3A to %scan3A_298 step %scan3A_299 iter_args(%scan3A_317 = %broadcast_in_dim3A_296) -> (vector<1x1024xf32>)  : i32 {
      %get3A_318 = arith.index_cast %scan3A_316 : i32 to index
      %get3A_319 = arith.constant 0 : index
      %get3A_320 = vector.load %arg4[%get3A_318, %get3A_319] : memref<1024x1024xf32, #tpu.memory_space<vmem>>, vector<1x1024xf32>
      %mul3A_321 = arith.mulf %get3A_320, %scan3A_317 : vector<1x1024xf32>
      %reduce_sum3A = vector.shape_cast %mul3A_321 : vector<1x1024xf32> to vector<1x1x1024xf32>
      %reduce_sum3A_322 = arith.constant dense<0.000000e+00> : vector<1xf32>
      %reduce_sum3A_323 = vector.multi_reduction <add>, %reduce_sum3A, %reduce_sum3A_322 [1, 2] : vector<1x1x1024xf32> to vector<1xf32>
      %reduce_sum3A_324 = vector.shape_cast %reduce_sum3A_323 : vector<1xf32> to vector<1x1x1xf32>
      %reduce_sum3A_325 = vector.extract %reduce_sum3A_324[0, 0, 0] : f32 from vector<1x1x1xf32>
      %gt3A_326 = arith.constant 0.000000e+00 : f32
      %gt3A_327 = arith.cmpf ogt, %reduce_sum3A_325, %gt3A_326 : f32
      %jit3A_328 = arith.constant 0.000000e+00 : f32
      %jit3A_329 = arith.constant 1.000000e+00 : f32
      %select_n3A_330 = arith.select %gt3A_327, %jit3A_328, %jit3A_329 : f32
      %eq3A = vector.broadcast %scan3A_316 : i32 to vector<1x1024xi32>
      %eq3A_331 = arith.cmpi eq, %iota3A, %eq3A : vector<1x1024xi32>
      %broadcast_in_dim3A_332 = vector.broadcast %select_n3A_330 : f32 to vector<1x1024xf32>
      %select_n3A_333 = arith.select %eq3A_331, %broadcast_in_dim3A_332, %scan3A_317 : vector<1x1024xi1>, vector<1x1024xf32>
      scf.yield %select_n3A_333 : vector<1x1024xf32>
    }
    %scan3A_301 = arith.constant 1000 : i32
    %swap3A_302 = arith.constant 0 : index
    %swap3A_303 = arith.constant 4 : index
    %swap3A_304 = arith.constant 0 : index
    %swap3A_305 = vector.load %arg3[%swap3A_302, %swap3A_303, %swap3A_304] : memref<1x8x1024xf32, #tpu.memory_space<vmem>>, vector<1x1x1024xf32>
    %swap3A_306 = vector.shape_cast %swap3A_305 : vector<1x1x1024xf32> to vector<1x1024xf32>
    %swap3A_307 = vector.shape_cast %scan3A_300 : vector<1x1024xf32> to vector<1x1x1024xf32>
    tpu.vector_store %arg3[%swap3A_302, %swap3A_303, %swap3A_304], %swap3A_307 {strides = array<i32>} : memref<1x8x1024xf32, #tpu.memory_space<vmem>>, vector<1x1x1024xf32>,
    %broadcast_in_dim3A_308 = arith.constant 0.000000e+00 : f32
    %broadcast_in_dim3A_309 = vector.broadcast %broadcast_in_dim3A_308 : f32 to vector<3x1024xf32>
    %swap3A_310 = arith.constant 0 : index
    %swap3A_311 = arith.constant 5 : index
    %swap3A_312 = arith.constant 0 : index
    %swap3A_313 = vector.load %arg3[%swap3A_310, %swap3A_311, %swap3A_312] : memref<1x8x1024xf32, #tpu.memory_space<vmem>>, vector<1x3x1024xf32>
    %swap3A_314 = vector.shape_cast %swap3A_313 : vector<1x3x1024xf32> to vector<3x1024xf32>
    %swap3A_315 = vector.shape_cast %broadcast_in_dim3A_309 : vector<3x1024xf32> to vector<1x3x1024xf32>
    tpu.vector_store %arg3[%swap3A_310, %swap3A_311, %swap3A_312], %swap3A_315 {strides = array<i32>} : memref<1x8x1024xf32, #tpu.memory_space<vmem>>, vector<1x3x1024xf32>,
    return
  }
  func.func @transform_0(%arg0: i32) -> (i32, i32, i32) {
    %c0_i32 = arith.constant 0 : i32
    %c0_i32_0 = arith.constant 0 : i32
    %c0_i32_1 = arith.constant 0 : i32
    return %arg0, %c0_i32, %c0_i32_0 : i32, i32, i32
  }
  func.func @transform_1(%arg0: i32) -> (i32, i32, i32) {
    %c0_i32 = arith.constant 0 : i32
    %c0_i32_0 = arith.constant 0 : i32
    %c0_i32_1 = arith.constant 0 : i32
    return %arg0, %c0_i32, %c0_i32_0 : i32, i32, i32
  }
  func.func @transform_2(%arg0: i32) -> (i32, i32, i32) {
    %c0_i32 = arith.constant 0 : i32
    %c0_i32_0 = arith.constant 0 : i32
    %c0_i32_1 = arith.constant 0 : i32
    return %arg0, %c0_i32, %c0_i32_0 : i32, i32, i32
  }
}

</mosaic_0001>

<sc_bundles>
// kernel: gather_offload_async_start.1
scs
__scs_entry_jumppad:
0x0: {  	(pc) =	sbr.rel $0x88, $3  }
0x1: {  	(tag) =	ssettag $0x0;
	lr =	simm.s32 $0x1  }
0x2: {  	[smem:$0x3F9C] =	sst lr;
	_ =	strace $0xD0000000  }
0x3: {  	_ = 	snop  }
0x4: {  	_ = 	snop  }
0x5: {  	_ = 	snop  }
0x6: {  	_ = 	snop  }
0x7: {  	_ = 	snop  }
__scs_overlays_trampoline_lowered:
0x8: {  	[smem:$0x3FAB] =	sst s0  }
0x9: {  	[smem:$0x3FAC] =	sst s1  }
0xa: {  	[smem:$0x3FAD] =	sst s2  }
0xb: {  	[smem:$0x3FAE] =	sst s3  }
0xc: {  	[smem:$0x3FAF] =	sst s4  }
0xd: {  	[smem:$0x3FB0] =	sst s5  }
0xe: {  	[smem:$0x3FB1] =	sst s6  }
0xf: {  	[smem:$0x3FB2] =	sst s7  }
0x10: {  	[smem:$0x3FB3] =	sst s8  }
0x11: {  	[smem:$0x3FB4] =	sst s9;
	s0 =	simm.s32 @!p0 $0x0  }
0x12: {  	s1 =	sld [smem:$0x3F9A];
	s0 =	simm.s32 @p0 $0x1  }
0x13: {  	[smem:$0x3FB5] =	sst s0;
	s0 =	simm.s32 @!p1 $0x0  }
0x14: {  	s2 =	sld [smem:$0x3F99];
	s0 =	simm.s32 @p1 $0x1  }
0x15: {  	[smem:$0x3FB6] =	sst s0;
	s0 =	simm.s32 @!p2 $0x0  }
0x16: {  	s3 =	sld [smem:$0x3FDB];
	s0 =	simm.s32 @p2 $0x1  }
0x17: {  	s4 =	simm.s32 $0x1BF5;
	[smem:$0x3FB8] =	sst s0  }
0x18: {  	s0 =	sld [smem:$0x3F9B];
	_ =	swait.ge [sflag:s4], $0x0  }
0x19: {  	s7 =	sld [smem:$0x3F9C]  }
0x1a: {  	s8 =	sadd.s32 $0xFFFFE003, lr  }
0x1b: {  	s9 =	sadd.s32 $0xFFFFFEF7, lr;
	s5 =	simm.s32 $0xFFFFFFFF;
	p2 =	slt.u32 s8, $0xFFFFF086  }
0x1c: {  	p1 =	slt.u32 s9, $0xF7A;
	s5 =	simm.s32 @!p2 $0x0  }
0x1d: {  	s5 =	simm.s32 @p1 $0x1;
	p0 =	seq.s32 s7, s2  }
0x1e: {  	s7 =	smul.u32 @!p0 $0xF7A, s2;
	p2 =	seq.s32 @!p0 s5, $0x0  }
0x1f: {  	s9 =	smul.u32 $0xF7A, s1;
	s8 =	simm.s32 @!p0 $0x1BF5;
	p2 =	por !p2, p0  }
0x20: {  	[sflag:s8] =	ssyncset.s32 @!p0 $0xFFFFF086;
	s6 =	sadd.s32 @!p0 s3, s7;
	s7 =	simm.s32 @!p0 $0x108  }
0x21: {  	s3 =	sadd.s32 s3, s9;
	s6 =	sadd.s32 @!p0 $0x88, s6;
	s7 =	simm.s32 @p2 $0x1082  }
0x22: {  	[simem:s7], [sflag:s8] =	dma.local @!p0 [hbm:s6], $0xF7A  }
0x23: {  	s9 =	sor.u32 $0xD0000000, s2;
	s6 =	simm.s32 $0x108;
	_ =	swait.ge @!p0 [sflag:s8], $0x0  }
0x24: {  	s3 =	sadd.s32 $0x88, s3;
	s6 =	simm.s32 @!p1 $0x1082;
	[sflag:s4] =	ssyncset.s32 $0xFFFFF086  }
0x25: {  	[simem:s6], [sflag:s4] =	dma.local [hbm:s3], $0xF7A  }
0x26: {  	[smem:$0x3F9C] =	sst s1;
	(tag) =	ssettag s2;
	_ =	strace s9  }
0x27: {  	s1 =	sld [smem:$0x3FAC]  }
0x28: {  	s2 =	sld [smem:$0x3FAD]  }
0x29: {  	s4 =	sld [smem:$0x3FAF]  }
0x2a: {  	p0 =	seq.s32 s5, $0x0;
	s5 =	sld [smem:$0x3FB0]  }
0x2b: {  	s6 =	sld [smem:$0x3FB1]  }
0x2c: {  	s7 =	sld [smem:$0x3FB2]  }
0x2d: {  	s3 =	simm.s32 $0x108;
	s8 =	sld [smem:$0x3FB3]  }
0x2e: {  	s3 =	simm.s32 @!p0 $0x1082;
	s9 =	sld [smem:$0x3FB4]  }
0x2f: {  	lr =	sadd.s32 s0, s3;
	s0 =	sld [smem:$0x3FAB]  }
0x30: {  	s3 =	sld [smem:$0x3FAE]  }
0x31: {  	[smem:$0x3FB7] =	sst s10  }
0x32: {  	s10 =	sld [smem:$0x3FB5];
	_ =	sdelay $0x3  }
0x33: {  	p0 =	seq.s32 s10, $0x1;
	s10 =	sld [smem:$0x3FB7];
	_ =	sdelay $0x3  }
0x34: {  	[smem:$0x3FB7] =	sst s10  }
0x35: {  	s10 =	sld [smem:$0x3FB6];
	_ =	sdelay $0x3  }
0x36: {  	p1 =	seq.s32 s10, $0x1;
	s10 =	sld [smem:$0x3FB7];
	_ =	sdelay $0x3  }
0x37: {  	[smem:$0x3FB7] =	sst s10  }
0x38: {  	s10 =	sld [smem:$0x3FB8]  }
0x39: {  	_ = 	snop;
	(pc) =	sbr.ind lr, $3  }
0x3a: {  	_ = 	snop  }
0x3b: {  	_ = 	snop  }
0x3c: {  	p2 =	seq.s32 s10, $0x1;
	s10 =	sld [smem:$0x3FB7]  }
0x3d: {  	_ =	shalt  }
0x3e: {  	_ =	shalt  }
0x3f: {  	_ =	shalt  }
0x40: {  	_ =	shalt  }
0x41: {  	_ =	shalt  }
0x42: {  	_ =	shalt  }
0x43: {  	_ =	shalt  }
0x44: {  	_ =	shalt  }
0x45: {  	_ =	shalt  }
0x46: {  	_ =	shalt  }
0x47: {  	_ =	shalt  }
0x48: {  	_ =	shalt  }
0x49: {  	_ =	shalt  }
0x4a: {  	_ =	shalt  }
0x4b: {  	_ =	shalt  }
0x4c: {  	_ =	shalt  }
0x4d: {  	_ =	shalt  }
0x4e: {  	_ =	shalt  }
0x4f: {  	_ =	shalt  }
0x50: {  	_ =	shalt  }
0x51: {  	_ =	shalt  }
0x52: {  	_ =	shalt  }
0x53: {  	_ =	shalt  }
0x54: {  	_ =	shalt  }
0x55: {  	_ =	shalt  }
0x56: {  	_ =	shalt  }
0x57: {  	_ =	shalt  }
0x58: {  	_ =	shalt  }
0x59: {  	_ =	shalt  }
0x5a: {  	_ =	shalt  }
0x5b: {  	_ =	shalt  }
0x5c: {  	_ =	shalt  }
0x5d: {  	_ =	shalt  }
0x5e: {  	_ =	shalt  }
0x5f: {  	_ =	shalt  }
0x60: {  	_ =	shalt  }
0x61: {  	_ =	shalt  }
0x62: {  	_ =	shalt  }
0x63: {  	_ =	shalt  }
0x64: {  	_ =	shalt  }
0x65: {  	_ =	shalt  }
0x66: {  	_ =	shalt  }
0x67: {  	_ =	shalt  }
0x68: {  	_ =	shalt  }
0x69: {  	_ =	shalt  }
0x6a: {  	_ =	shalt  }
0x6b: {  	_ =	shalt  }
0x6c: {  	_ =	shalt  }
0x6d: {  	_ =	shalt  }
0x6e: {  	_ =	shalt  }
0x6f: {  	_ =	shalt  }
0x70: {  	_ =	shalt  }
0x71: {  	_ =	shalt  }
0x72: {  	_ =	shalt  }
0x73: {  	_ =	shalt  }
0x74: {  	_ =	shalt  }
0x75: {  	_ =	shalt  }
0x76: {  	_ =	shalt  }
0x77: {  	_ =	shalt  }
0x78: {  	_ =	shalt  }
0x79: {  	_ =	shalt  }
0x7a: {  	_ =	shalt  }
0x7b: {  	_ =	shalt  }
0x7c: {  	_ =	shalt  }
0x7d: {  	_ =	shalt  }
0x7e: {  	_ =	shalt  }
0x7f: {  	_ =	shalt  }
0x80: {  	_ =	shalt  }
0x81: {  	_ =	shalt  }
0x82: {  	_ =	shalt  }
0x83: {  	_ =	shalt  }
0x84: {  	_ =	shalt  }
0x85: {  	_ =	shalt  }
0x86: {  	_ =	shalt  }
0x87: {  	_ =	shalt  }
.Lfunc_end0:
.L_simem_size_0:
called_computation.1_lowered:
.L_overlay_start_0:
0x88: {  	s2 =	sld [smem:$0x3FD9]  }
0x89: {  	s3 =	sld [smem:$0x3FFE];
	_ =	sdelay $0x1  }
0x8a: {  	s1 =	srdreg.scid  }
0x8b: {  	s0 =	sand.u32 $0x1, s1  }
0x8c: {  	s17 =	sshll.u32 s0, $0xA;
	s2 =	sadd.s32 s3, s2  }
0x8d: {  	s2 =	sadd.s32 s2, s17  }
0x8e: {  	[smem:$0x3FC3] =	sst s2  }
0x8f: {  	_ = 	snop  }
0x90: {  	s18 =	sld [smem:$0x3FD0];
	(tm) =	ssettm $0x1  }
0x91: {  	s19 =	sld [smem:$0x3FFB];
	_ =	sdelay $0x3  }
0x92: {  	_ =	strace s19  }
0x93: {  	s2 =	sld [smem:$0x3FFC];
	_ =	sdelay $0x3  }
0x94: {  	_ =	strace s2  }
0x95: {  	s2 =	sld [smem:$0x3FFD];
	_ =	sdelay $0x3  }
0x96: {  	_ =	strace s2  }
0x97: {  	_ =	strace $0x8FFFFFFF  }
0x98: {  	s20 =	sld [smem:$0x3FDB];
	_ =	sdelay $0x1  }
0x99: {  	s4 =	simm.s32 $_scs_section_size  }
0x9a: {  	s5 =	simm.s32 $_size__tile_overlayer_lowered;
	s6 =	simm.s32 $_tile_overlayer_lowered  }
0x9b: {  	s7 =	simm.s32 $0x1BFF;
	s21 =	sshll.u32 s6, $0x1;
	s4 =	sadd.s32 s4, s20  }
0x9c: {  	s22 =	simm.s32 $0x0;
	s5 =	sshll.u32 s5, $0x1;
	s6 =	sadd.s32 s21, s4  }
0x9d: {  	[timem:s22], [sflag:s7] =	dma.local [hbm:s6], s5  }
0x9e: {  	_ =	swait.ge [sflag:s7], s5  }
0x9f: {  	s5 =	ssub.s32 $0x0, s5;
	[sflag:s7] =	ssyncset.done $0x0  }
0xa0: {  	[sflag:s7] =	ssyncadd.s32 s5;
	_ =	sdelay $0x1  }
0xa1: {  	s23 =	simm.s32 $0x1B8B  }
0xa2: {  	_ =	swait.ge [sflag:s23], $0x1  }
0xa3: {  	[sflag:s23] =	ssyncset.done $0x0  }
0xa4: {  	[sflag:s23] =	ssyncadd.s32 $0xFFFFFFFF  }
0xa5: {  	s5 =	sld [smem:$0x0]  }
0xa6: {  	s6 =	sand.u32 $0xFFFFFFFE, s1  }
0xa7: {  	p0 =	sne.s32 s1, s6  }
0xa8: {  	s6 =	sshll.u32 @p0 s6, $0xE  }
0xa9: {  	s6 =	sadd.s32 @p0 $0x11B8D, s6;
	s7 =	sshll.u32 @p0 s5, $0x11  }
0xaa: {  	s6 =	sor.u32 @p0 s7, s6  }
0xab: {  	[sflag:s6] =	ssyncadd.remote.s32 @p0 $0x1;
	_ =	sdelay $0x1  }
0xac: {  	s6 =	simm.s32 @p0 $0x1B8D  }
0xad: {  	_ =	swait.eq @p0 [sflag:s6], $0x1  }
0xae: {  	[sflag:s6] =	ssyncadd.s32 @p0 $0xFFFFFFFF  }
0xaf: {  	s7 =	sshll.u32 @!p0 s1, $0xE  }
0xb0: {  	s7 =	sor.u32 @!p0 $0x4000, s7;
	s6 =	simm.s32 @!p0 $0x1B8D  }
0xb1: {  	s5 =	sshll.u32 @!p0 s5, $0x11;
	s7 =	sadd.s32 @!p0 $0x11B8D, s7;
	_ =	swait.eq @!p0 [sflag:s6], $0x1  }
0xb2: {  	s5 =	sor.u32 @!p0 s5, s7;
	[sflag:s6] =	ssyncadd.s32 @!p0 $0xFFFFFFFF  }
0xb3: {  	s25 =	simm.s32 $0x1B8E;
	s24 =	sld [smem:$0x3FFE];
	[sflag:s5] =	ssyncadd.remote.s32 @!p0 $0x1  }
0xb4: {  	s26 =	simm.s32 $execute0_lowered;
	[smem:$0x3FD2] =	sst s25  }
0xb5: {  	s6 =	sshll.u32 s26, $0x1;
	_ =	strace $0x8000004C;
	[dreg:$0x1] =	wrdreg $0xFFFFFFFF  }
0xb6: {  	s28 =	simm.s32 $_size_execute0_lowered;
	s4 =	sadd.s32 s4, s6;
	[dreg:$0x0] =	wrdreg $0x0  }
0xb7: {  	s6 =	sshll.u32 s28, $0x1;
	[dreg:$0x2] =	wrdreg s4  }
0xb8: {  	[dreg:$0x3] =	wrdreg s6  }
0xb9: {  	[dreg:$0x4] =	wrdreg $0xC0  }
0xba: {  	_ =	task [dreg:s22], $0x5FFFF  }
0xbb: {  	[dreg:$0x1] =	wrdreg $0xFFFFFFFF  }
0xbc: {  	[dreg:$0x0] =	wrdreg $0x60  }
0xbd: {  	[dreg:$0x2] =	wrdreg s24  }
0xbe: {  	[dreg:$0x3] =	wrdreg s18  }
0xbf: {  	[dreg:$0x4] =	wrdreg $0x9  }
0xc0: {  	_ =	task.clear_ibuf [dreg:s22], $0x5FFFF;
	_ =	strace $0x9000004C  }
0xc1: {  	s29 =	simm.s32 $0x9;
	_ =	strace $0x8000004E  }
0xc2: {  	_ =	swait.ge [sflag:s29], $0x1  }
0xc3: {  	[sflag:s29] =	ssyncadd.s32 $0xFFFFFFFF  }
0xc4: {  	_ =	strace $0x9000004E  }
0xc5: {  	_ =	sfence  }
0xc6: {  	s30 =	sld [smem:$0x0];
	_ =	sdelay $0x2  }
0xc7: {  	s31 =	sshll.u32 s1, $0xD;
	s1 =	sshrl.u32 s1, $0x2  }
0xc8: {  	s4 =	sand.u32 $0x4000, s31;
	s1 =	sadd.s32 s1, s30  }
0xc9: {  	s0 =	sor.u32 s4, s0;
	s1 =	sshll.u32 s1, $0x11  }
0xca: {  	s0 =	sor.u32 s1, s0  }
0xcb: {  	s0 =	sadd.s32 $0x8F2B, s0  }
0xcc: {  	[sflag:s0] =	ssyncadd.remote.s32 $0x1  }
0xcd: {  	_ =	sfence.sel $0xFFFF  }
0xce: {  	[dreg:$0x0] =	wrdreg $0xFFFFFFFF;
	(pc) =	sbr.abs _section_cstart, $3  }
0xcf: {  	[dreg:$0x1] =	wrdreg $0xFFFFFFFF  }
0xd0: {  	_ =	task.clear_ibuf [dreg:s22], $0x2FFFF;
	_ =	strace $0x9FFFFFFF  }
0xd1: {  	(tm) =	ssettm $0x7FFFFFFF  }
tec
execute0_lowered:
.L_overlay_start_1:
0x0: {  	(tag) =	ssettag $0x1  }
0x1: {  	s7 =	rddreg [dreg:$0x0]  }
0x2: {  	s2 =	rddreg [dreg:$0x1]  }
0x3: {  	s0 =	rddreg [dreg:$0x2]  }
0x4: {  	s1 =	srdreg.scid;
	_ =	strace $0x8000004D;
	s4 =	simm.s32 $0x1  }
0x5: {  	s9 =	simm.s32 $0x3;
	s12 =	simm.s32 $0x0;
	s5 =	sshll.u32 s1, $0x4  }
.Ltmp0:
0x6: {  	s1 =	stileid.u32;
	s5 =	sand.u32 $0x10, s5;
	(pc) =	sbr.rel .LBB2_1-.Ltmp0, $4  }
0x7: {  	s10 =	simm.s32 $0x0;
	s3 =	sadd.s32 $0x4EC00, s7;
	s6 =	sor.u32 s1, s5  }
0x8: {  	[sflag:s4] =	ssyncpa.u1 $0x0;
	s5 =	simm.s32 $0x2;
	s6 =	sshll.u32 s6, $0x6  }
0x9: {  	s7 =	sadd.s32 $0xCC800, s7;
	[sflag:s5] =	ssyncpa.u1 $0x0;
	s8 =	sadd.s32 $0x40, s6  }
0xa: {  	v0 =	vimm.s32 $0x0;
	vm0 =	vmmov $0xff;
	vm1 =	vcmask $0x3F20;
	[sflag:s9] =	ssyncpa.u1 $0x0;
	s9 =	simm.s32 $0x40;
	s11 =	smov.u32 s6  }
.LBB2_9:
0xb: {  	p0 =	seq.s32 s10, $0x2  }
.Ltmp1:
0xc: {  	_ = 	snop;
	(pc) =	sbr.rel @p0 .LBB2_11-.Ltmp1, $1  }
0xd: {  	_ =	sdelay $0x3  }
.LBB2_10:
0xe: {  	s12 =	sadd.s32 $0x40, s11  }
0xf: {  	s13 =	smov.u32 s6;
	p0 =	slt.s32 s12, s8  }
0x10: {  	s13 =	smov.u32 @p0 s12  }
0x11: {  	s10 =	sadd.s32 $0x1, s10;
	s12 =	smov.u32 s11;
	s11 =	smov.u32 s13  }
.LBB2_1:
0x12: {  	p0 =	sne.s32 s10, $0x0  }
.Ltmp2:
0x13: {  	_ = 	snop;
	(pc) =	sbr.rel @!p0 .LBB2_2-.Ltmp2, $1  }
0x14: {  	_ =	sdelay $0x3  }
0x15: {  	s13 =	sand.u32 $0x1, s10  }
0x16: {  	p0 =	seq.s32 s13, $0x0  }
.Ltmp3:
0x17: {  	_ = 	snop;
	(pc) =	sbr.rel @p0 .LBB2_9-.Ltmp3, $1  }
0x18: {  	_ =	sdelay $0x3  }
0x19: {  	_ =	swait.ge [sflag:s5], $0x40  }
0x1a: {  	[sflag:s5] =	ssyncset.done $0x0  }
0x1b: {  	s13 =	simm.s32 $0x0;
	[sflag:s5] =	ssyncadd.s32 $0xFFFFFFC0  }
0x1c: {  	v1 =	vld.msk [tilespmem:s13+$0x40 ss:$0x1], $0xffff;
	_ =	sdelay $0x4  }
0x1d: {  	v2 =	vand.u32 $0x1, v1;
	v3 =	vshll.u32 v1, $0x6  }
0x1e: {  	vm2 =	veq.s32 v1, $0x80000000;
	vm3 =	veq.s32 v2, $0x1;
	v1 =	vand.u32 $0x1FFF80, v3  }
0x1f: {  	v2 =	vsel vm3, $0x138800, v0;
	v1 =	vsel vm2, $0xFFFFFF80, v1  }
0x20: {  	v2 =	vsel vm2, $0xFFEC7800, v2;
	v3 =	vand.u32 $0xFFFFFC00, v1  }
0x21: {  	v1 =	vand.u32 $0x380, v1;
	v2 =	vadd.s32 v2, v3  }
0x22: {  	v1 =	vor.u32 v1, v2  }
0x23: {  	v1 =	vshrl.u32 v1, $0x3;
	_ =	sdelay $0x3  }
0x24: {  	s13 =	simm.s32 $0x2080  }
0x25: {  	[tilespmem:s13], [sflag:$0x1] =	stream.indirect_vreg.gather [hbm:s3], $0x80, v1, vm0, $0x38;
	[tilespmem:$0x4080] =	vst v63  }
0x26: {  	s14 =	simm.s32 $0x2480;
	s31 =	simm.s32 $0x10  }
0x27: {  	[tilespmem:s14], [sflag:$0x1] =	stream.indirect_vreg.gather [hbm:s3], $0x80, v1, vm1, $0x38;
	[tilespmem:$0x4080] =	vst v63  }
0x28: {  	s14 =	simm.s32 $0x80;
	v1 =	vld.msk [tilespmem:s31+$0x40 ss:$0x1], $0xffff  }
.LBB2_5:
0x29: {  	p0 =	sne.s32 s14, $0xC0;
	_ =	sdelay $0x4  }
0x2a: {  	v2 =	vand.u32 $0x1, v1;
	v3 =	vshll.u32 v1, $0x6  }
0x2b: {  	vm2 =	veq.s32 v1, $0x80000000;
	vm3 =	veq.s32 v2, $0x1;
	v1 =	vand.u32 $0x1FFF80, v3  }
0x2c: {  	v2 =	vsel vm3, $0x138800, v0;
	v1 =	vsel vm2, $0xFFFFFF80, v1  }
0x2d: {  	v2 =	vsel vm2, $0xFFEC7800, v2;
	v3 =	vand.u32 $0xFFFFFC00, v1  }
0x2e: {  	v1 =	vand.u32 $0x380, v1;
	v2 =	vadd.s32 v2, v3  }
0x2f: {  	v1 =	vor.u32 v1, v2  }
0x30: {  	v1 =	vshrl.u32 v1, $0x3;
	_ =	sdelay $0x3  }
.Ltmp4:
0x31: {  	s13 =	sadd.s32 $0x800, s13;
	(pc) =	sbr.rel @p0 .LBB2_5-.Ltmp4, $4  }
0x32: {  	[tilespmem:s13], [sflag:$0x1] =	stream.indirect_vreg.gather [hbm:s3], $0x80, v1, vm0, $0x38;
	[tilespmem:$0x4080] =	vst v63  }
0x33: {  	s15 =	sshra.s32 s14, $0x2;
	s16 =	sadd.s32 $0x400, s13  }
0x34: {  	[tilespmem:s16], [sflag:$0x1] =	stream.indirect_vreg.gather [hbm:s3], $0x80, v1, vm1, $0x38;
	[tilespmem:$0x4080] =	vst v63  }
0x35: {  	s14 =	sadd.s32 $0x40, s14;
	v1 =	vld.msk [tilespmem:s15+$0x40 ss:$0x1], $0xffff  }
0x36: {  	_ =	sdelay $0x3  }
0x37: {  	v2 =	vand.u32 $0x1, v1;
	v3 =	vshll.u32 v1, $0x6  }
0x38: {  	vm2 =	veq.s32 v1, $0x80000000;
	vm3 =	veq.s32 v2, $0x1;
	v1 =	vand.u32 $0x1FFF80, v3  }
0x39: {  	v2 =	vsel vm3, $0x138800, v0;
	v1 =	vsel vm2, $0xFFFFFF80, v1  }
0x3a: {  	v2 =	vsel vm2, $0xFFEC7800, v2;
	v3 =	vand.u32 $0xFFFFFC00, v1  }
0x3b: {  	v1 =	vand.u32 $0x380, v1;
	v2 =	vadd.s32 v2, v3  }
0x3c: {  	v1 =	vor.u32 v1, v2  }
0x3d: {  	v1 =	vshrl.u32 v1, $0x3;
	_ =	sdelay $0x3  }
0x3e: {  	s13 =	sadd.s32 $0x800, s13  }
0x3f: {  	[tilespmem:s13], [sflag:$0x1] =	stream.indirect_vreg.gather [hbm:s3], $0x80, v1, vm0, $0x38;
	[tilespmem:$0x4080] =	vst v63  }
0x40: {  	s13 =	sadd.s32 $0x400, s13  }
0x41: {  	[tilespmem:s13], [sflag:$0x1] =	stream.indirect_vreg.gather [hbm:s3], $0x80, v1, vm1, $0x38;
	[tilespmem:$0x4080] =	vst v63  }
0x42: {  	s12 =	sshll.u32 s12, $0x4;
	s14 =	simm.s32 $0x80;
	_ =	swait.ge [sflag:s4], $0x2000  }
0x43: {  	s15 =	simm.s32 $0x2480;
	s12 =	sadd.s32 s12, s7;
	[sflag:s4] =	ssyncset.done $0x0  }
0x44: {  	s16 =	sadd.s32 $0x0, s12;
	s13 =	simm.s32 $0x2080;
	[sflag:s4] =	ssyncadd.s32 $0xFFFFE000  }
.LBB2_7:
0x45: {  	[hbm:s16] =	stream.linear.scatter [tilespmem:s13], [sflag:$0x3], $0x400, $0x38;
	[tilespmem:$0x4080] =	vst v63  }
0x46: {  	s16 =	smov.u32 s14;
	s13 =	smov.u32 s15;
	p0 =	sne.s32 s14, $0x380  }
.Ltmp5:
0x47: {  	s14 =	sadd.s32 $0x80, s14;
	(pc) =	sbr.rel @p0 .LBB2_7-.Ltmp5, $2  }
0x48: {  	_ =	sdelay $0x2  }
0x49: {  	s15 =	sadd.s32 $0x400, s15;
	s16 =	sadd.s32 s16, s12  }
.Ltmp6:
0x4a: {  	(pc) =	sbr.rel .LBB2_9-.Ltmp6, $2  }
0x4b: {  	_ =	sdelay $0x2  }
0x4c: {  	[hbm:s16] =	stream.linear.scatter [tilespmem:s13], [sflag:$0x3], $0x400, $0x38;
	[tilespmem:$0x4080] =	vst v63  }
.LBB2_2:
.Ltmp7:
0x4d: {  	(pc) =	sbr.rel .LBB2_10-.Ltmp7, $4  }
0x4e: {  	_ = 	snop  }
0x4f: {  	s12 =	sshrl.u32 s11, $0x3  }
0x50: {  	s13 =	sand.u32 $0x7, s11;
	s12 =	sadd.s32 s2, s12  }
0x51: {  	[tilespmem:s9], [sflag:$0x2] =	stream.linear.gather [hbm4b:s12+s13], $0x40, $0x38;
	[tilespmem:$0x4080] =	vst v63  }
.LBB2_11:
0x52: {  	s2 =	simm.s32 $0x3  }
0x53: {  	_ =	swait.ge [sflag:s2], $0x2000  }
0x54: {  	[sflag:s2] =	ssyncset.done $0x0  }
0x55: {  	[sflag:s2] =	ssyncadd.s32 $0xFFFFE000  }
0x56: {  	_ =	sfence.sel $0x180000  }
0x57: {  	s3 =	simm.s32 $0x2;
	[bflag:$0x0] =	sbarrier.arrive $0xFFFF  }
0x58: {  	[sflag:s3] =	ssyncpa.u1 $0x1  }
0x59: {  	s31 =	simm.s32 $0x1;
	[sflag:s2] =	ssyncpa.u1 $0x1  }
0x5a: {  	[sflag:s31] =	ssyncpa.u1 $0x1  }
0x5b: {  	p0 =	sne.s32 s1, $0x0;
	_ =	strace $0x9000004D  }
0x5c: {  	s0 =	sadd.s32 @!p0 $0x100000, s0;
	[bflag:$0x2] =	sbarrier.arrive $0xFFFF  }
0x5d: {  	[sflag:s0] =	ssyncadd.tile.s32 @!p0 $0x1;
	_ =	shalt  }
.Lfunc_end2:
_tile_overlayer_lowered:
.L_overlay_start_2:
0x5e: {  	(tag) =	ssettag $0x2  }
0x5f: {  	s0 =	rddreg [dreg:$0x0];
	s2 =	stileid.u32  }
0x60: {  	s1 =	rddreg [dreg:$0x1];
	p0 =	sne.s32 s2, $0x0  }
0x61: {  	s3 =	rddreg [dreg:$0x2];
	[bflag:$0x3] =	sbarrier.arrive $0xFFFF;
	s2 =	simm.s32 @!p0 $0x1C01  }
0x62: {  	[timem:s3], [sflag:s2] =	dma.local @!p0 [hbm:s0], s1  }
0x63: {  	s0 =	simm.s32 @!p0 $0x1  }
0x64: {  	_ =	swait.ge @!p0 [sflag:s0], s1  }
0x65: {  	s1 =	ssub.s32 @!p0 $0x0, s1;
	[sflag:s0] =	ssyncset.done @!p0 $0x0  }
0x66: {  	[sflag:s0] =	ssyncadd.s32 @!p0 s1  }
0x67: {  	[bflag:$0x3] =	sbarrier.arrive $0xFFFF  }
0x68: {  	_ =	shalt  }

// kernel: gather_offload_async_start.2
scs
__scs_entry_jumppad:
0x0: {  	(pc) =	sbr.rel $0x88, $3  }
0x1: {  	(tag) =	ssettag $0x0;
	lr =	simm.s32 $0x1  }
0x2: {  	[smem:$0x3F9C] =	sst lr;
	_ =	strace $0xD0000000  }
0x3: {  	_ = 	snop  }
0x4: {  	_ = 	snop  }
0x5: {  	_ = 	snop  }
0x6: {  	_ = 	snop  }
0x7: {  	_ = 	snop  }
__scs_overlays_trampoline_lowered:
0x8: {  	[smem:$0x3FAB] =	sst s0  }
0x9: {  	[smem:$0x3FAC] =	sst s1  }
0xa: {  	[smem:$0x3FAD] =	sst s2  }
0xb: {  	[smem:$0x3FAE] =	sst s3  }
0xc: {  	[smem:$0x3FAF] =	sst s4  }
0xd: {  	[smem:$0x3FB0] =	sst s5  }
0xe: {  	[smem:$0x3FB1] =	sst s6  }
0xf: {  	[smem:$0x3FB2] =	sst s7  }
0x10: {  	[smem:$0x3FB3] =	sst s8  }
0x11: {  	[smem:$0x3FB4] =	sst s9;
	s0 =	simm.s32 @!p0 $0x0  }
0x12: {  	s1 =	sld [smem:$0x3F9A];
	s0 =	simm.s32 @p0 $0x1  }
0x13: {  	[smem:$0x3FB5] =	sst s0;
	s0 =	simm.s32 @!p1 $0x0  }
0x14: {  	s2 =	sld [smem:$0x3F99];
	s0 =	simm.s32 @p1 $0x1  }
0x15: {  	[smem:$0x3FB6] =	sst s0;
	s0 =	simm.s32 @!p2 $0x0  }
0x16: {  	s3 =	sld [smem:$0x3FDB];
	s0 =	simm.s32 @p2 $0x1  }
0x17: {  	s4 =	simm.s32 $0x1BF5;
	[smem:$0x3FB8] =	sst s0  }
0x18: {  	s0 =	sld [smem:$0x3F9B];
	_ =	swait.ge [sflag:s4], $0x0  }
0x19: {  	s7 =	sld [smem:$0x3F9C]  }
0x1a: {  	s8 =	sadd.s32 $0xFFFFE003, lr  }
0x1b: {  	s9 =	sadd.s32 $0xFFFFFEF7, lr;
	s5 =	simm.s32 $0xFFFFFFFF;
	p2 =	slt.u32 s8, $0xFFFFF086  }
0x1c: {  	p1 =	slt.u32 s9, $0xF7A;
	s5 =	simm.s32 @!p2 $0x0  }
0x1d: {  	s5 =	simm.s32 @p1 $0x1;
	p0 =	seq.s32 s7, s2  }
0x1e: {  	s7 =	smul.u32 @!p0 $0xF7A, s2;
	p2 =	seq.s32 @!p0 s5, $0x0  }
0x1f: {  	s9 =	smul.u32 $0xF7A, s1;
	s8 =	simm.s32 @!p0 $0x1BF5;
	p2 =	por !p2, p0  }
0x20: {  	[sflag:s8] =	ssyncset.s32 @!p0 $0xFFFFF086;
	s6 =	sadd.s32 @!p0 s3, s7;
	s7 =	simm.s32 @!p0 $0x108  }
0x21: {  	s3 =	sadd.s32 s3, s9;
	s6 =	sadd.s32 @!p0 $0x88, s6;
	s7 =	simm.s32 @p2 $0x1082  }
0x22: {  	[simem:s7], [sflag:s8] =	dma.local @!p0 [hbm:s6], $0xF7A  }
0x23: {  	s9 =	sor.u32 $0xD0000000, s2;
	s6 =	simm.s32 $0x108;
	_ =	swait.ge @!p0 [sflag:s8], $0x0  }
0x24: {  	s3 =	sadd.s32 $0x88, s3;
	s6 =	simm.s32 @!p1 $0x1082;
	[sflag:s4] =	ssyncset.s32 $0xFFFFF086  }
0x25: {  	[simem:s6], [sflag:s4] =	dma.local [hbm:s3], $0xF7A  }
0x26: {  	[smem:$0x3F9C] =	sst s1;
	(tag) =	ssettag s2;
	_ =	strace s9  }
0x27: {  	s1 =	sld [smem:$0x3FAC]  }
0x28: {  	s2 =	sld [smem:$0x3FAD]  }
0x29: {  	s4 =	sld [smem:$0x3FAF]  }
0x2a: {  	p0 =	seq.s32 s5, $0x0;
	s5 =	sld [smem:$0x3FB0]  }
0x2b: {  	s6 =	sld [smem:$0x3FB1]  }
0x2c: {  	s7 =	sld [smem:$0x3FB2]  }
0x2d: {  	s3 =	simm.s32 $0x108;
	s8 =	sld [smem:$0x3FB3]  }
0x2e: {  	s3 =	simm.s32 @!p0 $0x1082;
	s9 =	sld [smem:$0x3FB4]  }
0x2f: {  	lr =	sadd.s32 s0, s3;
	s0 =	sld [smem:$0x3FAB]  }
0x30: {  	s3 =	sld [smem:$0x3FAE]  }
0x31: {  	[smem:$0x3FB7] =	sst s10  }
0x32: {  	s10 =	sld [smem:$0x3FB5];
	_ =	sdelay $0x3  }
0x33: {  	p0 =	seq.s32 s10, $0x1;
	s10 =	sld [smem:$0x3FB7];
	_ =	sdelay $0x3  }
0x34: {  	[smem:$0x3FB7] =	sst s10  }
0x35: {  	s10 =	sld [smem:$0x3FB6];
	_ =	sdelay $0x3  }
0x36: {  	p1 =	seq.s32 s10, $0x1;
	s10 =	sld [smem:$0x3FB7];
	_ =	sdelay $0x3  }
0x37: {  	[smem:$0x3FB7] =	sst s10  }
0x38: {  	s10 =	sld [smem:$0x3FB8]  }
0x39: {  	_ = 	snop;
	(pc) =	sbr.ind lr, $3  }
0x3a: {  	_ = 	snop  }
0x3b: {  	_ = 	snop  }
0x3c: {  	p2 =	seq.s32 s10, $0x1;
	s10 =	sld [smem:$0x3FB7]  }
0x3d: {  	_ =	shalt  }
0x3e: {  	_ =	shalt  }
0x3f: {  	_ =	shalt  }
0x40: {  	_ =	shalt  }
0x41: {  	_ =	shalt  }
0x42: {  	_ =	shalt  }
0x43: {  	_ =	shalt  }
0x44: {  	_ =	shalt  }
0x45: {  	_ =	shalt  }
0x46: {  	_ =	shalt  }
0x47: {  	_ =	shalt  }
0x48: {  	_ =	shalt  }
0x49: {  	_ =	shalt  }
0x4a: {  	_ =	shalt  }
0x4b: {  	_ =	shalt  }
0x4c: {  	_ =	shalt  }
0x4d: {  	_ =	shalt  }
0x4e: {  	_ =	shalt  }
0x4f: {  	_ =	shalt  }
0x50: {  	_ =	shalt  }
0x51: {  	_ =	shalt  }
0x52: {  	_ =	shalt  }
0x53: {  	_ =	shalt  }
0x54: {  	_ =	shalt  }
0x55: {  	_ =	shalt  }
0x56: {  	_ =	shalt  }
0x57: {  	_ =	shalt  }
0x58: {  	_ =	shalt  }
0x59: {  	_ =	shalt  }
0x5a: {  	_ =	shalt  }
0x5b: {  	_ =	shalt  }
0x5c: {  	_ =	shalt  }
0x5d: {  	_ =	shalt  }
0x5e: {  	_ =	shalt  }
0x5f: {  	_ =	shalt  }
0x60: {  	_ =	shalt  }
0x61: {  	_ =	shalt  }
0x62: {  	_ =	shalt  }
0x63: {  	_ =	shalt  }
0x64: {  	_ =	shalt  }
0x65: {  	_ =	shalt  }
0x66: {  	_ =	shalt  }
0x67: {  	_ =	shalt  }
0x68: {  	_ =	shalt  }
0x69: {  	_ =	shalt  }
0x6a: {  	_ =	shalt  }
0x6b: {  	_ =	shalt  }
0x6c: {  	_ =	shalt  }
0x6d: {  	_ =	shalt  }
0x6e: {  	_ =	shalt  }
0x6f: {  	_ =	shalt  }
0x70: {  	_ =	shalt  }
0x71: {  	_ =	shalt  }
0x72: {  	_ =	shalt  }
0x73: {  	_ =	shalt  }
0x74: {  	_ =	shalt  }
0x75: {  	_ =	shalt  }
0x76: {  	_ =	shalt  }
0x77: {  	_ =	shalt  }
0x78: {  	_ =	shalt  }
0x79: {  	_ =	shalt  }
0x7a: {  	_ =	shalt  }
0x7b: {  	_ =	shalt  }
0x7c: {  	_ =	shalt  }
0x7d: {  	_ =	shalt  }
0x7e: {  	_ =	shalt  }
0x7f: {  	_ =	shalt  }
0x80: {  	_ =	shalt  }
0x81: {  	_ =	shalt  }
0x82: {  	_ =	shalt  }
0x83: {  	_ =	shalt  }
0x84: {  	_ =	shalt  }
0x85: {  	_ =	shalt  }
0x86: {  	_ =	shalt  }
0x87: {  	_ =	shalt  }
.Lfunc_end0:
.L_simem_size_0:
called_computation.2_lowered:
.L_overlay_start_0:
0x88: {  	s2 =	sld [smem:$0x3FD9]  }
0x89: {  	s3 =	sld [smem:$0x3FFE];
	_ =	sdelay $0x1  }
0x8a: {  	s1 =	srdreg.scid  }
0x8b: {  	s0 =	sand.u32 $0x1, s1  }
0x8c: {  	s17 =	sshll.u32 s0, $0xA;
	s2 =	sadd.s32 s3, s2  }
0x8d: {  	s2 =	sadd.s32 s2, s17  }
0x8e: {  	[smem:$0x3FC3] =	sst s2  }
0x8f: {  	_ = 	snop  }
0x90: {  	s2 =	sld [smem:$0x3FD0];
	(tm) =	ssettm $0x1  }
0x91: {  	s18 =	sld [smem:$0x3FFB];
	_ =	sdelay $0x3  }
0x92: {  	_ =	strace s18  }
0x93: {  	s3 =	sld [smem:$0x3FFC];
	_ =	sdelay $0x3  }
0x94: {  	_ =	strace s3  }
0x95: {  	s3 =	sld [smem:$0x3FFD];
	_ =	sdelay $0x3  }
0x96: {  	_ =	strace s3  }
0x97: {  	_ =	strace $0x8FFFFFFF  }
0x98: {  	s19 =	sld [smem:$0x3FDB];
	_ =	sdelay $0x1  }
0x99: {  	s4 =	simm.s32 $_scs_section_size  }
0x9a: {  	s5 =	simm.s32 $_size__tile_overlayer_lowered;
	s6 =	simm.s32 $_tile_overlayer_lowered  }
0x9b: {  	s22 =	simm.s32 $0x1BFF;
	s21 =	sshll.u32 s6, $0x1;
	s3 =	sadd.s32 s4, s19  }
0x9c: {  	s7 =	simm.s32 $0x0;
	s20 =	sshll.u32 s5, $0x1;
	s5 =	sadd.s32 s21, s3  }
0x9d: {  	[timem:s7], [sflag:s22] =	dma.local [hbm:s5], s20  }
0x9e: {  	_ =	swait.ge [sflag:s22], s20  }
0x9f: {  	s4 =	ssub.s32 $0x0, s20;
	[sflag:s22] =	ssyncset.done $0x0  }
0xa0: {  	[sflag:s22] =	ssyncadd.s32 s4;
	_ =	sdelay $0x1  }
0xa1: {  	s23 =	simm.s32 $0x1B8B  }
0xa2: {  	_ =	swait.ge [sflag:s23], $0x1  }
0xa3: {  	[sflag:s23] =	ssyncset.done $0x0  }
0xa4: {  	s25 =	simm.s32 $0x1B8E;
	s24 =	sld [smem:$0x3FFE];
	[sflag:s23] =	ssyncadd.s32 $0xFFFFFFFF  }
0xa5: {  	s26 =	simm.s32 $execute0_lowered;
	[smem:$0x3FD2] =	sst s25  }
0xa6: {  	s5 =	sshll.u32 s26, $0x1;
	_ =	strace $0x80000046;
	[dreg:$0x1] =	wrdreg $0xFFFFFFFF  }
0xa7: {  	s28 =	simm.s32 $_size_execute0_lowered;
	s3 =	sadd.s32 s3, s5;
	[dreg:$0x0] =	wrdreg $0x0  }
0xa8: {  	s5 =	sshll.u32 s28, $0x1;
	[dreg:$0x2] =	wrdreg s3  }
0xa9: {  	[dreg:$0x3] =	wrdreg s5  }
0xaa: {  	[dreg:$0x4] =	wrdreg $0xC0  }
0xab: {  	_ =	task [dreg:s7], $0x5FFFF  }
0xac: {  	[dreg:$0x1] =	wrdreg $0xFFFFFFFF  }
0xad: {  	[dreg:$0x0] =	wrdreg $0x60  }
0xae: {  	[dreg:$0x2] =	wrdreg s24  }
0xaf: {  	[dreg:$0x3] =	wrdreg s2  }
0xb0: {  	[dreg:$0x4] =	wrdreg $0x9  }
0xb1: {  	_ =	task.clear_ibuf [dreg:s7], $0x5FFFF;
	_ =	strace $0x90000046  }
0xb2: {  	s29 =	simm.s32 $0x9;
	_ =	strace $0x80000048  }
0xb3: {  	_ =	swait.ge [sflag:s29], $0x1  }
0xb4: {  	[sflag:s29] =	ssyncadd.s32 $0xFFFFFFFF  }
0xb5: {  	_ =	strace $0x90000048  }
0xb6: {  	_ =	sfence  }
0xb7: {  	s30 =	sld [smem:$0x0];
	_ =	sdelay $0x2  }
0xb8: {  	s31 =	sshll.u32 s1, $0xD;
	s1 =	sshrl.u32 s1, $0x2  }
0xb9: {  	s3 =	sand.u32 $0x4000, s31;
	s1 =	sadd.s32 s1, s30  }
0xba: {  	s0 =	sor.u32 s3, s0;
	s1 =	sshll.u32 s1, $0x11  }
0xbb: {  	s0 =	sor.u32 s1, s0  }
0xbc: {  	s0 =	sadd.s32 $0x8F2B, s0  }
0xbd: {  	[sflag:s0] =	ssyncadd.remote.s32 $0x1  }
0xbe: {  	_ =	sfence.sel $0xFFFF  }
0xbf: {  	[dreg:$0x0] =	wrdreg $0xFFFFFFFF;
	(pc) =	sbr.abs _section_cstart, $3  }
0xc0: {  	[dreg:$0x1] =	wrdreg $0xFFFFFFFF  }
0xc1: {  	_ =	task.clear_ibuf [dreg:s7], $0x2FFFF;
	_ =	strace $0x9FFFFFFF  }
0xc2: {  	(tm) =	ssettm $0x7FFFFFFF  }
0xc3: {  	_ =	shalt  }
tec
execute0_lowered:
.L_overlay_start_1:
0x0: {  	(tag) =	ssettag $0x1  }
0x1: {  	s1 =	srdreg.scid;
	s8 =	rddreg [dreg:$0x0]  }
0x2: {  	s0 =	stileid.u32;
	s2 =	rddreg [dreg:$0x1]  }
0x3: {  	s5 =	simm.s32 $0x1;
	s9 =	simm.s32 $0x1;
	s1 =	sshll.u32 s1, $0x5  }
0x4: {  	s10 =	simm.s32 $0x3;
	s3 =	sshll.u32 s0, $0x6;
	s4 =	sand.u32 $0x20, s1  }
0x5: {  	s13 =	simm.s32 $0x0;
	s12 =	simm.s32 $0x0;
	s3 =	sor.u32 s3, s4  }
0x6: {  	s1 =	rddreg [dreg:$0x2];
	_ =	strace $0x80000047;
	s7 =	ssub.s32 $0x800, s3  }
.Ltmp0:
0x7: {  	s4 =	sadd.s32 $0x4E200, s8;
	s6 =	sand.u32 $0x3E0, s7;
	(pc) =	sbr.rel .LBB2_1-.Ltmp0, $4  }
0x8: {  	[sflag:s5] =	ssyncpa.u1 $0x0;
	s8 =	sadd.s32 $0xC4800, s8;
	p0 =	sne.s32 s6, $0x0  }
0x9: {  	s7 =	sshrl.u32 s7, $0xA;
	s6 =	simm.s32 $0x2;
	s9 =	simm.s32 @!p0 $0x0  }
0xa: {  	s11 =	smov.u32 s3;
	[sflag:s6] =	ssyncpa.u1 $0x0;
	s7 =	sadd.s32 s9, s7  }
0xb: {  	vm0 =	vmmov $0xffff;
	[sflag:s10] =	ssyncpa.u1 $0x0;
	s10 =	simm.s32 $0x0;
	s9 =	sadd.s32 $0x1, s7  }
.LBB2_5:
0xc: {  	s15 =	sadd.s32 $0x400, s11  }
0xd: {  	p1 =	sgt.s32 s15, $0x7FF  }
0xe: {  	s15 =	smov.u32 @p1 s3;
	p1 =	sne.s32 s12, s9  }
.Ltmp1:
0xf: {  	p0 =	slt.u32 s12, $0x2;
	(pc) =	sbr.rel @!p1 .LBB2_6-.Ltmp1, $4  }
0x10: {  	s14 =	simm.s32 @!p0 $0x3  }
0x11: {  	_ =	swait.ge @!p0 [sflag:s14], $0x20  }
0x12: {  	s16 =	sadd.s32 $0x1, s12;
	s13 =	smov.u32 s11;
	[sflag:s14] =	ssyncset.done @!p0 $0x0  }
0x13: {  	s12 =	smov.u32 s16;
	s11 =	smov.u32 s15;
	[sflag:s14] =	ssyncadd.s32 @!p0 $0xFFFFFFE0  }
.LBB2_1:
0x14: {  	p0 =	sge.u32 s12, s7  }
0x15: {  	s14 =	sxor.u32 @!p0 $0xFFFFFFFF, s12  }
0x16: {  	s31 =	sadd.s32 $0xFFFFFFFF, s12;
	s15 =	sshrl.u32 @!p0 s11, $0x3;
	s14 =	sshll.u32 @!p0 s14, $0x5  }
0x17: {  	s16 =	sand.u32 @!p0 $0x7, s11;
	s15 =	sadd.s32 @!p0 s2, s15;
	s14 =	sand.u32 @!p0 $0x20, s14  }
0x18: {  	[tilespmem:s14], [sflag:$0x2] =	stream.linear.gather @!p0 [hbm4b:s15+s16], $0x20, $0x38;
	[tilespmem:$0x80] =	vst v63  }
0x19: {  	p0 =	sge.u32 s31, s7  }
.Ltmp2:
0x1a: {  	_ = 	snop;
	(pc) =	sbr.rel @p0 .LBB2_5-.Ltmp2, $1  }
0x1b: {  	_ =	sdelay $0x3  }
0x1c: {  	_ =	swait.ge [sflag:s6], $0x20;
	s14 =	sshll.u32 s12, $0x5;
	s16 =	simm.s32 $0x0  }
0x1d: {  	p0 =	por $0x1, $0x1;
	[sflag:s6] =	ssyncset.done $0x0;
	s15 =	sand.u32 $0x20, s14  }
0x1e: {  	[sflag:s6] =	ssyncadd.s32 $0xFFFFFFE0;
	(ifvalue) =	ssetifvalue $0x7FFFFFFF;
	s14 =	sor.u32 $0x40, s15  }
.LBB2_3:
0x1f: {  	s17 =	sadd.s32 s16, s15  }
0x20: {  	v0 =	vld.msk [tilespmem:s17+$0x0 ss:$0x1], $0xffff;
	_ =	sdelay $0x4  }
0x21: {  	vm1 =	veq.s32 v0, $0x80000000;
	v1 =	vand.u32 $0x1, v0;
	v0 =	vshrl.u32 v0, $0x1  }
0x22: {  	v1 =	vsel vm1, $0xFFFFFFFF, v1;
	v0 =	vand.u32 $0x3FFF, v0  }
0x23: {  	v0 =	vsel vm1, $0xFFFFFFFF, v0;
	v2 =	vshrl.u32 v1, $0x1  }
0x24: {  	v2 =	vmul.u32 $0x4F00, v2;
	v3 =	vshll.u32 v0, $0x1  }
0x25: {  	v1 =	vshll.u32 v1, $0x7;
	v3 =	vand.u32 $0xFFFFFF00, v3  }
0x26: {  	v1 =	vand.u32 $0x80, v1;
	v2 =	vadd.s32 v2, v3  }
0x27: {  	v0 =	vand.u32 $0x7F, v0;
	v1 =	vor.u32 v1, v2  }
0x28: {  	p1 =	por p0, p0;
	v0 =	vor.u32 v0, v1  }
.Ltmp3:
0x29: {  	_ = 	snop;
	(pc) =	sbr.rel @p1 .LBB2_3-.Ltmp3, $4  }
0x2a: {  	_ = 	snop  }
0x2b: {  	s31 =	sadd.s32 s16, s14  }
0x2c: {  	s16 =	simm.s32 $0x10;
	p0 =	por $0x0, $0x0;
	(ifvalue) =	ssetifvalue $0x7FFFFFFF  }
0x2d: {  	[tilespmem:s31], [sflag:$0x1] =	stream.indirect_vreg.gather [hbm4b:s4+s10], $0x1, v0, vm0, $0x4038;
	[tilespmem:$0x80] =	vst v63  }
.Ltmp4:
0x2e: {  	(pc) =	sbr.rel .LBB2_5-.Ltmp4, $4  }
0x2f: {  	_ =	swait.ge [sflag:s5], $0x20  }
0x30: {  	s15 =	sshrl.u32 s13, $0x3;
	[sflag:s5] =	ssyncset.done $0x0  }
0x31: {  	s31 =	sand.u32 $0x7, s13;
	s15 =	sadd.s32 s8, s15;
	[sflag:s5] =	ssyncadd.s32 $0xFFFFFFE0  }
0x32: {  	[hbm4b:s15+s31] =	stream.linear.scatter [tilespmem:s14], [sflag:$0x3], $0x20, $0x38;
	[tilespmem:$0x80] =	vst v63  }
.LBB2_6:
0x33: {  	_ =	sfence.sel $0x180000  }
0x34: {  	s2 =	simm.s32 $0x2;
	[bflag:$0x0] =	sbarrier.arrive $0xFFFF  }
0x35: {  	s30 =	simm.s32 $0x3;
	[sflag:s2] =	ssyncpa.u1 $0x1  }
0x36: {  	s31 =	simm.s32 $0x1;
	[sflag:s30] =	ssyncpa.u1 $0x1  }
0x37: {  	[sflag:s31] =	ssyncpa.u1 $0x1  }
0x38: {  	p0 =	sne.s32 s0, $0x0;
	_ =	strace $0x90000047  }
0x39: {  	s0 =	sadd.s32 @!p0 $0x100000, s1;
	[bflag:$0x2] =	sbarrier.arrive $0xFFFF  }
0x3a: {  	[sflag:s0] =	ssyncadd.tile.s32 @!p0 $0x1;
	_ =	shalt  }
.Lfunc_end2:
_tile_overlayer_lowered:
.L_overlay_start_2:
0x3b: {  	(tag) =	ssettag $0x2  }
0x3c: {  	s0 =	rddreg [dreg:$0x0];
	s2 =	stileid.u32  }
0x3d: {  	s1 =	rddreg [dreg:$0x1];
	p0 =	sne.s32 s2, $0x0  }
0x3e: {  	s3 =	rddreg [dreg:$0x2];
	[bflag:$0x3] =	sbarrier.arrive $0xFFFF;
	s2 =	simm.s32 @!p0 $0x1C01  }
0x3f: {  	[timem:s3], [sflag:s2] =	dma.local @!p0 [hbm:s0], s1  }
0x40: {  	s0 =	simm.s32 @!p0 $0x1  }
0x41: {  	_ =	swait.ge @!p0 [sflag:s0], s1  }
0x42: {  	s1 =	ssub.s32 @!p0 $0x0, s1;
	[sflag:s0] =	ssyncset.done @!p0 $0x0  }
0x43: {  	[sflag:s0] =	ssyncadd.s32 @!p0 s1  }
0x44: {  	[bflag:$0x3] =	sbarrier.arrive $0xFFFF  }
0x45: {  	_ =	shalt  }

// kernel: gather_offload_async_start.3
scs
__scs_entry_jumppad:
0x0: {  	(pc) =	sbr.rel $0x88, $3  }
0x1: {  	(tag) =	ssettag $0x0;
	lr =	simm.s32 $0x1  }
0x2: {  	[smem:$0x3F9C] =	sst lr;
	_ =	strace $0xD0000000  }
0x3: {  	_ = 	snop  }
0x4: {  	_ = 	snop  }
0x5: {  	_ = 	snop  }
0x6: {  	_ = 	snop  }
0x7: {  	_ = 	snop  }
__scs_overlays_trampoline_lowered:
0x8: {  	[smem:$0x3FAB] =	sst s0  }
0x9: {  	[smem:$0x3FAC] =	sst s1  }
0xa: {  	[smem:$0x3FAD] =	sst s2  }
0xb: {  	[smem:$0x3FAE] =	sst s3  }
0xc: {  	[smem:$0x3FAF] =	sst s4  }
0xd: {  	[smem:$0x3FB0] =	sst s5  }
0xe: {  	[smem:$0x3FB1] =	sst s6  }
0xf: {  	[smem:$0x3FB2] =	sst s7  }
0x10: {  	[smem:$0x3FB3] =	sst s8  }
0x11: {  	[smem:$0x3FB4] =	sst s9;
	s0 =	simm.s32 @!p0 $0x0  }
0x12: {  	s1 =	sld [smem:$0x3F9A];
	s0 =	simm.s32 @p0 $0x1  }
0x13: {  	[smem:$0x3FB5] =	sst s0;
	s0 =	simm.s32 @!p1 $0x0  }
0x14: {  	s2 =	sld [smem:$0x3F99];
	s0 =	simm.s32 @p1 $0x1  }
0x15: {  	[smem:$0x3FB6] =	sst s0;
	s0 =	simm.s32 @!p2 $0x0  }
0x16: {  	s3 =	sld [smem:$0x3FDB];
	s0 =	simm.s32 @p2 $0x1  }
0x17: {  	s4 =	simm.s32 $0x1BF5;
	[smem:$0x3FB8] =	sst s0  }
0x18: {  	s0 =	sld [smem:$0x3F9B];
	_ =	swait.ge [sflag:s4], $0x0  }
0x19: {  	s7 =	sld [smem:$0x3F9C]  }
0x1a: {  	s8 =	sadd.s32 $0xFFFFE003, lr  }
0x1b: {  	s9 =	sadd.s32 $0xFFFFFEF7, lr;
	s5 =	simm.s32 $0xFFFFFFFF;
	p2 =	slt.u32 s8, $0xFFFFF086  }
0x1c: {  	p1 =	slt.u32 s9, $0xF7A;
	s5 =	simm.s32 @!p2 $0x0  }
0x1d: {  	s5 =	simm.s32 @p1 $0x1;
	p0 =	seq.s32 s7, s2  }
0x1e: {  	s7 =	smul.u32 @!p0 $0xF7A, s2;
	p2 =	seq.s32 @!p0 s5, $0x0  }
0x1f: {  	s9 =	smul.u32 $0xF7A, s1;
	s8 =	simm.s32 @!p0 $0x1BF5;
	p2 =	por !p2, p0  }
0x20: {  	[sflag:s8] =	ssyncset.s32 @!p0 $0xFFFFF086;
	s6 =	sadd.s32 @!p0 s3, s7;
	s7 =	simm.s32 @!p0 $0x108  }
0x21: {  	s3 =	sadd.s32 s3, s9;
	s6 =	sadd.s32 @!p0 $0x88, s6;
	s7 =	simm.s32 @p2 $0x1082  }
0x22: {  	[simem:s7], [sflag:s8] =	dma.local @!p0 [hbm:s6], $0xF7A  }
0x23: {  	s9 =	sor.u32 $0xD0000000, s2;
	s6 =	simm.s32 $0x108;
	_ =	swait.ge @!p0 [sflag:s8], $0x0  }
0x24: {  	s3 =	sadd.s32 $0x88, s3;
	s6 =	simm.s32 @!p1 $0x1082;
	[sflag:s4] =	ssyncset.s32 $0xFFFFF086  }
0x25: {  	[simem:s6], [sflag:s4] =	dma.local [hbm:s3], $0xF7A  }
0x26: {  	[smem:$0x3F9C] =	sst s1;
	(tag) =	ssettag s2;
	_ =	strace s9  }
0x27: {  	s1 =	sld [smem:$0x3FAC]  }
0x28: {  	s2 =	sld [smem:$0x3FAD]  }
0x29: {  	s4 =	sld [smem:$0x3FAF]  }
0x2a: {  	p0 =	seq.s32 s5, $0x0;
	s5 =	sld [smem:$0x3FB0]  }
0x2b: {  	s6 =	sld [smem:$0x3FB1]  }
0x2c: {  	s7 =	sld [smem:$0x3FB2]  }
0x2d: {  	s3 =	simm.s32 $0x108;
	s8 =	sld [smem:$0x3FB3]  }
0x2e: {  	s3 =	simm.s32 @!p0 $0x1082;
	s9 =	sld [smem:$0x3FB4]  }
0x2f: {  	lr =	sadd.s32 s0, s3;
	s0 =	sld [smem:$0x3FAB]  }
0x30: {  	s3 =	sld [smem:$0x3FAE]  }
0x31: {  	[smem:$0x3FB7] =	sst s10  }
0x32: {  	s10 =	sld [smem:$0x3FB5];
	_ =	sdelay $0x3  }
0x33: {  	p0 =	seq.s32 s10, $0x1;
	s10 =	sld [smem:$0x3FB7];
	_ =	sdelay $0x3  }
0x34: {  	[smem:$0x3FB7] =	sst s10  }
0x35: {  	s10 =	sld [smem:$0x3FB6];
	_ =	sdelay $0x3  }
0x36: {  	p1 =	seq.s32 s10, $0x1;
	s10 =	sld [smem:$0x3FB7];
	_ =	sdelay $0x3  }
0x37: {  	[smem:$0x3FB7] =	sst s10  }
0x38: {  	s10 =	sld [smem:$0x3FB8]  }
0x39: {  	_ = 	snop;
	(pc) =	sbr.ind lr, $3  }
0x3a: {  	_ = 	snop  }
0x3b: {  	_ = 	snop  }
0x3c: {  	p2 =	seq.s32 s10, $0x1;
	s10 =	sld [smem:$0x3FB7]  }
0x3d: {  	_ =	shalt  }
0x3e: {  	_ =	shalt  }
0x3f: {  	_ =	shalt  }
0x40: {  	_ =	shalt  }
0x41: {  	_ =	shalt  }
0x42: {  	_ =	shalt  }
0x43: {  	_ =	shalt  }
0x44: {  	_ =	shalt  }
0x45: {  	_ =	shalt  }
0x46: {  	_ =	shalt  }
0x47: {  	_ =	shalt  }
0x48: {  	_ =	shalt  }
0x49: {  	_ =	shalt  }
0x4a: {  	_ =	shalt  }
0x4b: {  	_ =	shalt  }
0x4c: {  	_ =	shalt  }
0x4d: {  	_ =	shalt  }
0x4e: {  	_ =	shalt  }
0x4f: {  	_ =	shalt  }
0x50: {  	_ =	shalt  }
0x51: {  	_ =	shalt  }
0x52: {  	_ =	shalt  }
0x53: {  	_ =	shalt  }
0x54: {  	_ =	shalt  }
0x55: {  	_ =	shalt  }
0x56: {  	_ =	shalt  }
0x57: {  	_ =	shalt  }
0x58: {  	_ =	shalt  }
0x59: {  	_ =	shalt  }
0x5a: {  	_ =	shalt  }
0x5b: {  	_ =	shalt  }
0x5c: {  	_ =	shalt  }
0x5d: {  	_ =	shalt  }
0x5e: {  	_ =	shalt  }
0x5f: {  	_ =	shalt  }
0x60: {  	_ =	shalt  }
0x61: {  	_ =	shalt  }
0x62: {  	_ =	shalt  }
0x63: {  	_ =	shalt  }
0x64: {  	_ =	shalt  }
0x65: {  	_ =	shalt  }
0x66: {  	_ =	shalt  }
0x67: {  	_ =	shalt  }
0x68: {  	_ =	shalt  }
0x69: {  	_ =	shalt  }
0x6a: {  	_ =	shalt  }
0x6b: {  	_ =	shalt  }
0x6c: {  	_ =	shalt  }
0x6d: {  	_ =	shalt  }
0x6e: {  	_ =	shalt  }
0x6f: {  	_ =	shalt  }
0x70: {  	_ =	shalt  }
0x71: {  	_ =	shalt  }
0x72: {  	_ =	shalt  }
0x73: {  	_ =	shalt  }
0x74: {  	_ =	shalt  }
0x75: {  	_ =	shalt  }
0x76: {  	_ =	shalt  }
0x77: {  	_ =	shalt  }
0x78: {  	_ =	shalt  }
0x79: {  	_ =	shalt  }
0x7a: {  	_ =	shalt  }
0x7b: {  	_ =	shalt  }
0x7c: {  	_ =	shalt  }
0x7d: {  	_ =	shalt  }
0x7e: {  	_ =	shalt  }
0x7f: {  	_ =	shalt  }
0x80: {  	_ =	shalt  }
0x81: {  	_ =	shalt  }
0x82: {  	_ =	shalt  }
0x83: {  	_ =	shalt  }
0x84: {  	_ =	shalt  }
0x85: {  	_ =	shalt  }
0x86: {  	_ =	shalt  }
0x87: {  	_ =	shalt  }
.Lfunc_end0:
.L_simem_size_0:
called_computation.3_lowered:
.L_overlay_start_0:
0x88: {  	s0 =	sld [smem:$0x3FD9]  }
0x89: {  	s1 =	sld [smem:$0x3FFE];
	_ =	sdelay $0x3  }
0x8a: {  	s0 =	sadd.s32 s1, s0  }
0x8b: {  	[smem:$0x3FC3] =	sst s0  }
0x8c: {  	_ = 	snop  }
0x8d: {  	s0 =	sld [smem:$0x3FD0];
	(tm) =	ssettm $0x1  }
0x8e: {  	s16 =	sld [smem:$0x3FFB];
	_ =	sdelay $0x3  }
0x8f: {  	_ =	strace s16  }
0x90: {  	s1 =	sld [smem:$0x3FFC];
	_ =	sdelay $0x3  }
0x91: {  	_ =	strace s1  }
0x92: {  	s1 =	sld [smem:$0x3FFD];
	_ =	sdelay $0x3  }
0x93: {  	_ =	strace s1  }
0x94: {  	_ =	strace $0x8FFFFFFF  }
0x95: {  	s17 =	sld [smem:$0x3FDB];
	_ =	sdelay $0x1  }
0x96: {  	s2 =	simm.s32 $_scs_section_size  }
0x97: {  	s3 =	simm.s32 $_size__tile_overlayer_lowered;
	s4 =	simm.s32 $_tile_overlayer_lowered  }
0x98: {  	s20 =	simm.s32 $0x1BFF;
	s19 =	sshll.u32 s4, $0x1;
	s1 =	sadd.s32 s2, s17  }
0x99: {  	s5 =	simm.s32 $0x0;
	s18 =	sshll.u32 s3, $0x1;
	s3 =	sadd.s32 s19, s1  }
0x9a: {  	[timem:s5], [sflag:s20] =	dma.local [hbm:s3], s18  }
0x9b: {  	_ =	swait.ge [sflag:s20], s18  }
0x9c: {  	s2 =	ssub.s32 $0x0, s18;
	[sflag:s20] =	ssyncset.done $0x0  }
0x9d: {  	[sflag:s20] =	ssyncadd.s32 s2;
	_ =	sdelay $0x1  }
0x9e: {  	s21 =	simm.s32 $0x1B8B  }
0x9f: {  	_ =	swait.ge [sflag:s21], $0x1  }
0xa0: {  	[sflag:s21] =	ssyncset.done $0x0  }
0xa1: {  	s23 =	simm.s32 $0x1B8E;
	s22 =	sld [smem:$0x3FFE];
	[sflag:s21] =	ssyncadd.s32 $0xFFFFFFFF  }
0xa2: {  	s24 =	simm.s32 $execute0_lowered;
	[smem:$0x3FD2] =	sst s23  }
0xa3: {  	s3 =	sshll.u32 s24, $0x1;
	_ =	strace $0x80000052;
	[dreg:$0x1] =	wrdreg $0xFFFFFFFF  }
0xa4: {  	s25 =	simm.s32 $_size_execute0_lowered;
	s1 =	sadd.s32 s1, s3;
	[dreg:$0x0] =	wrdreg $0x0  }
0xa5: {  	s3 =	sshll.u32 s25, $0x1;
	[dreg:$0x2] =	wrdreg s1  }
0xa6: {  	[dreg:$0x3] =	wrdreg s3  }
0xa7: {  	[dreg:$0x4] =	wrdreg $0xC0  }
0xa8: {  	_ =	task [dreg:s5], $0x5FFFF  }
0xa9: {  	[dreg:$0x1] =	wrdreg $0xFFFFFFFF  }
0xaa: {  	[dreg:$0x0] =	wrdreg $0x60  }
0xab: {  	[dreg:$0x2] =	wrdreg s22  }
0xac: {  	[dreg:$0x3] =	wrdreg s0  }
0xad: {  	[dreg:$0x4] =	wrdreg $0x9  }
0xae: {  	_ =	task.clear_ibuf [dreg:s5], $0x5FFFF;
	_ =	strace $0x90000052  }
0xaf: {  	s26 =	simm.s32 $0x9;
	_ =	strace $0x80000054  }
0xb0: {  	_ =	swait.ge [sflag:s26], $0x1  }
0xb1: {  	[sflag:s26] =	ssyncadd.s32 $0xFFFFFFFF  }
0xb2: {  	_ =	strace $0x90000054  }
0xb3: {  	_ =	sfence  }
0xb4: {  	s28 =	sld [smem:$0x0];
	_ =	sdelay $0x1  }
0xb5: {  	s29 =	srdreg.scid  }
0xb6: {  	s30 =	sshll.u32 s29, $0xD;
	s31 =	sshrl.u32 s29, $0x2  }
0xb7: {  	s2 =	sand.u32 $0x4000, s30;
	s1 =	sand.u32 $0x1, s29;
	s0 =	sadd.s32 s31, s28  }
0xb8: {  	s1 =	sor.u32 s2, s1;
	s0 =	sshll.u32 s0, $0x11  }
0xb9: {  	s0 =	sor.u32 s0, s1  }
0xba: {  	s0 =	sadd.s32 $0x8F2B, s0  }
0xbb: {  	[sflag:s0] =	ssyncadd.remote.s32 $0x1  }
0xbc: {  	_ =	sfence.sel $0xFFFF  }
0xbd: {  	[dreg:$0x0] =	wrdreg $0xFFFFFFFF;
	(pc) =	sbr.abs _section_cstart, $3  }
0xbe: {  	[dreg:$0x1] =	wrdreg $0xFFFFFFFF  }
0xbf: {  	_ =	task.clear_ibuf [dreg:s5], $0x2FFFF;
	_ =	strace $0x9FFFFFFF  }
0xc0: {  	(tm) =	ssettm $0x7FFFFFFF  }
0xc1: {  	_ =	shalt  }
tec
execute0_lowered:
.L_overlay_start_1:
0x0: {  	(tag) =	ssettag $0x1  }
0x1: {  	s0 =	stileid.u32  }
0x2: {  	s1 =	smin.u32 s0, $0x9  }
0x3: {  	s1 =	sadd.s32 s0, s1  }
0x4: {  	s2 =	simm.s32 $0xA0;
	p0 =	slt.u32 s0, $0x9;
	s1 =	smul.u32 $0x50, s1  }
0x5: {  	s2 =	simm.s32 @!p0 $0x50  }
0x6: {  	s2 =	sadd.s32 s2, s1  }
0x7: {  	s3 =	smin.u32 s2, $0x7D0  }
0x8: {  	s7 =	ssub.s32 s3, s1  }
0x9: {  	p0 =	sgt.s32 s7, $0x0  }
0xa: {  	s7 =	simm.s32 @!p0 $0x0  }
0xb: {  	s9 =	rddreg [dreg:$0x0];
	s31 =	smul.u32 $0xCCCD, s7  }
0xc: {  	s4 =	rddreg [dreg:$0x1];
	s6 =	simm.s32 $0x1  }
0xd: {  	s11 =	simm.s32 $0x3;
	s13 =	simm.s32 $0x0;
	s8 =	sshrl.u32 s31, $0x16  }
0xe: {  	s12 =	simm.s32 $0x0;
	s5 =	sadd.s32 $0x8200, s9;
	s10 =	smul.u32 $0x50, s8  }
.Ltmp0:
0xf: {  	s9 =	sadd.s32 $0x10200, s9;
	s2 =	rddreg [dreg:$0x2];
	(pc) =	sbr.rel .LBB2_1-.Ltmp0, $4  }
0x10: {  	_ =	strace $0x80000053;
	p0 =	sne.s32 s7, s10;
	s10 =	simm.s32 $0x1  }
0x11: {  	[sflag:s6] =	ssyncpa.u1 $0x0;
	s7 =	simm.s32 $0x2;
	s10 =	simm.s32 @!p0 $0x0  }
0x12: {  	[sflag:s7] =	ssyncpa.u1 $0x0;
	p0 =	por $0x0, $0x0;
	s8 =	sadd.s32 s8, s10  }
0x13: {  	vm0 =	vmmov $0xff;
	vm1 =	vcmask $0x3F20;
	[sflag:s11] =	ssyncpa.u1 $0x0;
	s11 =	smov.u32 s1;
	s10 =	sadd.s32 $0x1, s8  }
.LBB2_6:
0x14: {  	[hbm:s17] =	stream.linear.scatter [tilespmem:s14], [sflag:$0x3], $0x400, $0x38;
	[tilespmem:$0x50A0] =	vst v63  }
.LBB2_7:
0x15: {  	s13 =	sadd.s32 $0x50, s11  }
0x16: {  	s15 =	smov.u32 s1;
	p2 =	slt.s32 s13, s3  }
0x17: {  	s15 =	smov.u32 @p2 s13;
	p2 =	sne.s32 s12, s10  }
.Ltmp1:
0x18: {  	p1 =	slt.u32 s12, $0x2;
	(pc) =	sbr.rel @!p2 .LBB2_8-.Ltmp1, $4  }
0x19: {  	s14 =	simm.s32 @!p1 $0x3  }
0x1a: {  	s16 =	sadd.s32 $0x1, s12;
	_ =	swait.ge @!p1 [sflag:s14], $0x2800  }
0x1b: {  	p0 =	por !p0, !p0;
	s13 =	smov.u32 s11;
	[sflag:s14] =	ssyncset.done @!p1 $0x0  }
0x1c: {  	s12 =	smov.u32 s16;
	s11 =	smov.u32 s15;
	[sflag:s14] =	ssyncadd.s32 @!p1 $0xFFFFD800  }
.LBB2_1:
0x1d: {  	p1 =	sge.u32 s12, s8  }
0x1e: {  	s14 =	sxor.u32 @!p1 $0xFFFFFFFF, s12  }
0x1f: {  	s14 =	sand.u32 @!p1 $0x1, s14  }
0x20: {  	s14 =	smul.u32 @!p1 $0x140, s14  }
0x21: {  	s31 =	sadd.s32 $0xFFFFFFFF, s12;
	s15 =	sshrl.u32 @!p1 s11, $0x3  }
0x22: {  	s16 =	sand.u32 @!p1 $0x7, s11;
	s15 =	sadd.s32 @!p1 s4, s15;
	s14 =	sshrl.u32 @!p1 s14, $0x2  }
0x23: {  	[tilespmem:s14], [sflag:$0x2] =	stream.linear.gather @!p1 [hbm4b:s15+s16], $0x50, $0x38;
	[tilespmem:$0x50A0] =	vst v63  }
0x24: {  	p1 =	sge.u32 s31, s8  }
.Ltmp2:
0x25: {  	_ = 	snop;
	(pc) =	sbr.rel @p1 .LBB2_7-.Ltmp2, $1  }
0x26: {  	_ =	sdelay $0x3  }
0x27: {  	s14 =	simm.s32 $0x1  }
0x28: {  	s14 =	simm.s32 @!p0 $0x0  }
0x29: {  	s15 =	smul.u32 $0x140, s14  }
0x2a: {  	_ =	swait.ge [sflag:s7], $0x50  }
0x2b: {  	[sflag:s7] =	ssyncset.done $0x0;
	s16 =	sshrl.u32 s15, $0x2  }
0x2c: {  	[sflag:s7] =	ssyncadd.s32 $0xFFFFFFB0;
	s15 =	sadd.s32 $0x0, s16  }
0x2d: {  	v0 =	vld.msk [tilespmem:s15+$0x0 ss:$0x1], $0xffff;
	_ =	sdelay $0x4  }
0x2e: {  	v1 =	vshll.u32 v0, $0x6  }
0x2f: {  	vm2 =	veq.s32 v0, $0x80000000;
	v0 =	vshll.u32 v0, $0x11;
	v1 =	vand.u32 $0x1FF80, v1  }
0x30: {  	v0 =	vand.u32 $0x20000, v0;
	v1 =	vsel vm2, $0xFFFFFF80, v1  }
0x31: {  	v0 =	vsel vm2, $0xFFFE0000, v0;
	v2 =	vand.u32 $0xFFFFFC00, v1  }
0x32: {  	v1 =	vand.u32 $0x380, v1;
	v0 =	vadd.s32 v0, v2  }
0x33: {  	v0 =	vor.u32 v1, v0  }
0x34: {  	v0 =	vshrl.u32 v0, $0x3  }
0x35: {  	s14 =	smul.u32 $0xA000, s14;
	_ =	sdelay $0x1  }
0x36: {  	s14 =	sshrl.u32 s14, $0x2  }
0x37: {  	s14 =	sor.u32 $0xA0, s14  }
0x38: {  	[tilespmem:s14], [sflag:$0x1] =	stream.indirect_vreg.gather [hbm:s5], $0x80, v0, vm0, $0x38;
	[tilespmem:$0x50A0] =	vst v63  }
0x39: {  	s17 =	sadd.s32 $0x10, s16;
	s15 =	sadd.s32 $0x400, s14  }
0x3a: {  	[tilespmem:s15], [sflag:$0x1] =	stream.indirect_vreg.gather [hbm:s5], $0x80, v0, vm1, $0x38;
	[tilespmem:$0x50A0] =	vst v63  }
0x3b: {  	s18 =	simm.s32 $0x80;
	v0 =	vld.msk [tilespmem:s17+$0x0 ss:$0x1], $0xffff;
	s17 =	smov.u32 s14  }
.LBB2_3:
0x3c: {  	p1 =	sne.s32 s18, $0x100;
	_ =	sdelay $0x4  }
0x3d: {  	v1 =	vshll.u32 v0, $0x6  }
0x3e: {  	vm2 =	veq.s32 v0, $0x80000000;
	v0 =	vshll.u32 v0, $0x11;
	v1 =	vand.u32 $0x1FF80, v1  }
0x3f: {  	v0 =	vand.u32 $0x20000, v0;
	v1 =	vsel vm2, $0xFFFFFF80, v1  }
0x40: {  	v0 =	vsel vm2, $0xFFFE0000, v0;
	v2 =	vand.u32 $0xFFFFFC00, v1  }
0x41: {  	v1 =	vand.u32 $0x380, v1;
	v0 =	vadd.s32 v0, v2  }
0x42: {  	v0 =	vor.u32 v1, v0  }
0x43: {  	v0 =	vshrl.u32 v0, $0x3;
	_ =	sdelay $0x3  }
.Ltmp3:
0x44: {  	s19 =	sshra.s32 s18, $0x2;
	s17 =	sadd.s32 $0x800, s17;
	(pc) =	sbr.rel @p1 .LBB2_3-.Ltmp3, $4  }
0x45: {  	[tilespmem:s17], [sflag:$0x1] =	stream.indirect_vreg.gather [hbm:s5], $0x80, v0, vm0, $0x38;
	[tilespmem:$0x50A0] =	vst v63  }
0x46: {  	s19 =	sadd.s32 s19, s16;
	s20 =	sadd.s32 $0x400, s17  }
0x47: {  	[tilespmem:s20], [sflag:$0x1] =	stream.indirect_vreg.gather [hbm:s5], $0x80, v0, vm1, $0x38;
	[tilespmem:$0x50A0] =	vst v63  }
0x48: {  	s18 =	sadd.s32 $0x40, s18;
	v0 =	vld.msk [tilespmem:s19+$0x0 ss:$0x1], $0xffff  }
0x49: {  	_ =	sdelay $0x3  }
0x4a: {  	v1 =	vshll.u32 v0, $0x6  }
0x4b: {  	vm2 =	veq.s32 v0, $0x80000000;
	v63 =	vshll.u32 v0, $0x11;
	v1 =	vand.u32 $0x1FF80, v1  }
0x4c: {  	v0 =	vand.u32 $0x20000, v63;
	v1 =	vsel vm2, $0xFFFFFF80, v1  }
0x4d: {  	v0 =	vsel vm2, $0xFFFE0000, v0;
	v2 =	vand.u32 $0xFFFFFC00, v1  }
0x4e: {  	v1 =	vand.u32 $0x380, v1;
	v0 =	vadd.s32 v0, v2  }
0x4f: {  	v0 =	vor.u32 v1, v0  }
0x50: {  	v0 =	vshrl.u32 v0, $0x3;
	_ =	sdelay $0x3  }
0x51: {  	s16 =	sadd.s32 $0x800, s17  }
0x52: {  	[tilespmem:s16], [sflag:$0x1] =	stream.indirect_vreg.gather [hbm:s5], $0x80, v0, vm0, $0x38;
	[tilespmem:$0x50A0] =	vst v63  }
0x53: {  	s16 =	sadd.s32 $0x400, s16  }
0x54: {  	[tilespmem:s16], [sflag:$0x1] =	stream.indirect_vreg.gather [hbm:s5], $0x80, v0, vm1, $0x38;
	[tilespmem:$0x50A0] =	vst v63  }
0x55: {  	s13 =	sshll.u32 s13, $0x4;
	_ =	swait.ge [sflag:s6], $0x2800  }
0x56: {  	s13 =	sadd.s32 s13, s9;
	[sflag:s6] =	ssyncset.done $0x0  }
0x57: {  	s17 =	sadd.s32 $0x0, s13;
	s16 =	simm.s32 $0x80;
	[sflag:s6] =	ssyncadd.s32 $0xFFFFD800  }
.LBB2_5:
0x58: {  	[hbm:s17] =	stream.linear.scatter [tilespmem:s14], [sflag:$0x3], $0x400, $0x38;
	[tilespmem:$0x50A0] =	vst v63  }
0x59: {  	s17 =	smov.u32 s16;
	s14 =	smov.u32 s15;
	p1 =	sne.s32 s16, $0x480  }
.Ltmp4:
0x5a: {  	s16 =	sadd.s32 $0x80, s16;
	(pc) =	sbr.rel @p1 .LBB2_5-.Ltmp4, $2  }
0x5b: {  	_ =	sdelay $0x2  }
0x5c: {  	s15 =	sadd.s32 $0x400, s15;
	s17 =	sadd.s32 s17, s13  }
.Ltmp5:
0x5d: {  	_ = 	snop;
	(pc) =	sbr.rel .LBB2_6-.Ltmp5, $1  }
0x5e: {  	_ =	sdelay $0x3  }
.LBB2_8:
0x5f: {  	_ =	sfence.sel $0x180000  }
0x60: {  	s1 =	simm.s32 $0x2;
	[bflag:$0x0] =	sbarrier.arrive $0xFFFF  }
0x61: {  	s30 =	simm.s32 $0x3;
	[sflag:s1] =	ssyncpa.u1 $0x1  }
0x62: {  	s31 =	simm.s32 $0x1;
	[sflag:s30] =	ssyncpa.u1 $0x1  }
0x63: {  	[sflag:s31] =	ssyncpa.u1 $0x1  }
0x64: {  	p0 =	sne.s32 s0, $0x0;
	_ =	strace $0x90000053  }
0x65: {  	s0 =	sadd.s32 @!p0 $0x100000, s2;
	[bflag:$0x2] =	sbarrier.arrive $0xFFFF  }
0x66: {  	[sflag:s0] =	ssyncadd.tile.s32 @!p0 $0x1;
	_ =	shalt  }
.Lfunc_end2:
_tile_overlayer_lowered:
.L_overlay_start_2:
0x67: {  	(tag) =	ssettag $0x2  }
0x68: {  	s0 =	rddreg [dreg:$0x0];
	s2 =	stileid.u32  }
0x69: {  	s1 =	rddreg [dreg:$0x1];
	p0 =	sne.s32 s2, $0x0  }
0x6a: {  	s3 =	rddreg [dreg:$0x2];
	[bflag:$0x3] =	sbarrier.arrive $0xFFFF;
	s2 =	simm.s32 @!p0 $0x1C01  }
0x6b: {  	[timem:s3], [sflag:s2] =	dma.local @!p0 [hbm:s0], s1  }
0x6c: {  	s0 =	simm.s32 @!p0 $0x1  }
0x6d: {  	_ =	swait.ge @!p0 [sflag:s0], s1  }
0x6e: {  	s1 =	ssub.s32 @!p0 $0x0, s1;
	[sflag:s0] =	ssyncset.done @!p0 $0x0  }
0x6f: {  	[sflag:s0] =	ssyncadd.s32 @!p0 s1  }
0x70: {  	[bflag:$0x3] =	sbarrier.arrive $0xFFFF  }
0x71: {  	_ =	shalt  }

// kernel: gather_offload_async_start.4
scs
__scs_entry_jumppad:
0x0: {  	(pc) =	sbr.rel $0x88, $3  }
0x1: {  	(tag) =	ssettag $0x0;
	lr =	simm.s32 $0x1  }
0x2: {  	[smem:$0x3F9C] =	sst lr;
	_ =	strace $0xD0000000  }
0x3: {  	_ = 	snop  }
0x4: {  	_ = 	snop  }
0x5: {  	_ = 	snop  }
0x6: {  	_ = 	snop  }
0x7: {  	_ = 	snop  }
__scs_overlays_trampoline_lowered:
0x8: {  	[smem:$0x3FAB] =	sst s0  }
0x9: {  	[smem:$0x3FAC] =	sst s1  }
0xa: {  	[smem:$0x3FAD] =	sst s2  }
0xb: {  	[smem:$0x3FAE] =	sst s3  }
0xc: {  	[smem:$0x3FAF] =	sst s4  }
0xd: {  	[smem:$0x3FB0] =	sst s5  }
0xe: {  	[smem:$0x3FB1] =	sst s6  }
0xf: {  	[smem:$0x3FB2] =	sst s7  }
0x10: {  	[smem:$0x3FB3] =	sst s8  }
0x11: {  	[smem:$0x3FB4] =	sst s9;
	s0 =	simm.s32 @!p0 $0x0  }
0x12: {  	s1 =	sld [smem:$0x3F9A];
	s0 =	simm.s32 @p0 $0x1  }
0x13: {  	[smem:$0x3FB5] =	sst s0;
	s0 =	simm.s32 @!p1 $0x0  }
0x14: {  	s2 =	sld [smem:$0x3F99];
	s0 =	simm.s32 @p1 $0x1  }
0x15: {  	[smem:$0x3FB6] =	sst s0;
	s0 =	simm.s32 @!p2 $0x0  }
0x16: {  	s3 =	sld [smem:$0x3FDB];
	s0 =	simm.s32 @p2 $0x1  }
0x17: {  	s4 =	simm.s32 $0x1BF5;
	[smem:$0x3FB8] =	sst s0  }
0x18: {  	s0 =	sld [smem:$0x3F9B];
	_ =	swait.ge [sflag:s4], $0x0  }
0x19: {  	s7 =	sld [smem:$0x3F9C]  }
0x1a: {  	s8 =	sadd.s32 $0xFFFFE003, lr  }
0x1b: {  	s9 =	sadd.s32 $0xFFFFFEF7, lr;
	s5 =	simm.s32 $0xFFFFFFFF;
	p2 =	slt.u32 s8, $0xFFFFF086  }
0x1c: {  	p1 =	slt.u32 s9, $0xF7A;
	s5 =	simm.s32 @!p2 $0x0  }
0x1d: {  	s5 =	simm.s32 @p1 $0x1;
	p0 =	seq.s32 s7, s2  }
0x1e: {  	s7 =	smul.u32 @!p0 $0xF7A, s2;
	p2 =	seq.s32 @!p0 s5, $0x0  }
0x1f: {  	s9 =	smul.u32 $0xF7A, s1;
	s8 =	simm.s32 @!p0 $0x1BF5;
	p2 =	por !p2, p0  }
0x20: {  	[sflag:s8] =	ssyncset.s32 @!p0 $0xFFFFF086;
	s6 =	sadd.s32 @!p0 s3, s7;
	s7 =	simm.s32 @!p0 $0x108  }
0x21: {  	s3 =	sadd.s32 s3, s9;
	s6 =	sadd.s32 @!p0 $0x88, s6;
	s7 =	simm.s32 @p2 $0x1082  }
0x22: {  	[simem:s7], [sflag:s8] =	dma.local @!p0 [hbm:s6], $0xF7A  }
0x23: {  	s9 =	sor.u32 $0xD0000000, s2;
	s6 =	simm.s32 $0x108;
	_ =	swait.ge @!p0 [sflag:s8], $0x0  }
0x24: {  	s3 =	sadd.s32 $0x88, s3;
	s6 =	simm.s32 @!p1 $0x1082;
	[sflag:s4] =	ssyncset.s32 $0xFFFFF086  }
0x25: {  	[simem:s6], [sflag:s4] =	dma.local [hbm:s3], $0xF7A  }
0x26: {  	[smem:$0x3F9C] =	sst s1;
	(tag) =	ssettag s2;
	_ =	strace s9  }
0x27: {  	s1 =	sld [smem:$0x3FAC]  }
0x28: {  	s2 =	sld [smem:$0x3FAD]  }
0x29: {  	s4 =	sld [smem:$0x3FAF]  }
0x2a: {  	p0 =	seq.s32 s5, $0x0;
	s5 =	sld [smem:$0x3FB0]  }
0x2b: {  	s6 =	sld [smem:$0x3FB1]  }
0x2c: {  	s7 =	sld [smem:$0x3FB2]  }
0x2d: {  	s3 =	simm.s32 $0x108;
	s8 =	sld [smem:$0x3FB3]  }
0x2e: {  	s3 =	simm.s32 @!p0 $0x1082;
	s9 =	sld [smem:$0x3FB4]  }
0x2f: {  	lr =	sadd.s32 s0, s3;
	s0 =	sld [smem:$0x3FAB]  }
0x30: {  	s3 =	sld [smem:$0x3FAE]  }
0x31: {  	[smem:$0x3FB7] =	sst s10  }
0x32: {  	s10 =	sld [smem:$0x3FB5];
	_ =	sdelay $0x3  }
0x33: {  	p0 =	seq.s32 s10, $0x1;
	s10 =	sld [smem:$0x3FB7];
	_ =	sdelay $0x3  }
0x34: {  	[smem:$0x3FB7] =	sst s10  }
0x35: {  	s10 =	sld [smem:$0x3FB6];
	_ =	sdelay $0x3  }
0x36: {  	p1 =	seq.s32 s10, $0x1;
	s10 =	sld [smem:$0x3FB7];
	_ =	sdelay $0x3  }
0x37: {  	[smem:$0x3FB7] =	sst s10  }
0x38: {  	s10 =	sld [smem:$0x3FB8]  }
0x39: {  	_ = 	snop;
	(pc) =	sbr.ind lr, $3  }
0x3a: {  	_ = 	snop  }
0x3b: {  	_ = 	snop  }
0x3c: {  	p2 =	seq.s32 s10, $0x1;
	s10 =	sld [smem:$0x3FB7]  }
0x3d: {  	_ =	shalt  }
0x3e: {  	_ =	shalt  }
0x3f: {  	_ =	shalt  }
0x40: {  	_ =	shalt  }
0x41: {  	_ =	shalt  }
0x42: {  	_ =	shalt  }
0x43: {  	_ =	shalt  }
0x44: {  	_ =	shalt  }
0x45: {  	_ =	shalt  }
0x46: {  	_ =	shalt  }
0x47: {  	_ =	shalt  }
0x48: {  	_ =	shalt  }
0x49: {  	_ =	shalt  }
0x4a: {  	_ =	shalt  }
0x4b: {  	_ =	shalt  }
0x4c: {  	_ =	shalt  }
0x4d: {  	_ =	shalt  }
0x4e: {  	_ =	shalt  }
0x4f: {  	_ =	shalt  }
0x50: {  	_ =	shalt  }
0x51: {  	_ =	shalt  }
0x52: {  	_ =	shalt  }
0x53: {  	_ =	shalt  }
0x54: {  	_ =	shalt  }
0x55: {  	_ =	shalt  }
0x56: {  	_ =	shalt  }
0x57: {  	_ =	shalt  }
0x58: {  	_ =	shalt  }
0x59: {  	_ =	shalt  }
0x5a: {  	_ =	shalt  }
0x5b: {  	_ =	shalt  }
0x5c: {  	_ =	shalt  }
0x5d: {  	_ =	shalt  }
0x5e: {  	_ =	shalt  }
0x5f: {  	_ =	shalt  }
0x60: {  	_ =	shalt  }
0x61: {  	_ =	shalt  }
0x62: {  	_ =	shalt  }
0x63: {  	_ =	shalt  }
0x64: {  	_ =	shalt  }
0x65: {  	_ =	shalt  }
0x66: {  	_ =	shalt  }
0x67: {  	_ =	shalt  }
0x68: {  	_ =	shalt  }
0x69: {  	_ =	shalt  }
0x6a: {  	_ =	shalt  }
0x6b: {  	_ =	shalt  }
0x6c: {  	_ =	shalt  }
0x6d: {  	_ =	shalt  }
0x6e: {  	_ =	shalt  }
0x6f: {  	_ =	shalt  }
0x70: {  	_ =	shalt  }
0x71: {  	_ =	shalt  }
0x72: {  	_ =	shalt  }
0x73: {  	_ =	shalt  }
0x74: {  	_ =	shalt  }
0x75: {  	_ =	shalt  }
0x76: {  	_ =	shalt  }
0x77: {  	_ =	shalt  }
0x78: {  	_ =	shalt  }
0x79: {  	_ =	shalt  }
0x7a: {  	_ =	shalt  }
0x7b: {  	_ =	shalt  }
0x7c: {  	_ =	shalt  }
0x7d: {  	_ =	shalt  }
0x7e: {  	_ =	shalt  }
0x7f: {  	_ =	shalt  }
0x80: {  	_ =	shalt  }
0x81: {  	_ =	shalt  }
0x82: {  	_ =	shalt  }
0x83: {  	_ =	shalt  }
0x84: {  	_ =	shalt  }
0x85: {  	_ =	shalt  }
0x86: {  	_ =	shalt  }
0x87: {  	_ =	shalt  }
.Lfunc_end0:
.L_simem_size_0:
called_computation.4_lowered:
.L_overlay_start_0:
0x88: {  	s2 =	sld [smem:$0x3FD9]  }
0x89: {  	s3 =	sld [smem:$0x3FFE];
	_ =	sdelay $0x1  }
0x8a: {  	s1 =	srdreg.scid  }
0x8b: {  	s0 =	sand.u32 $0x1, s1  }
0x8c: {  	s17 =	sshll.u32 s0, $0xA;
	s2 =	sadd.s32 s3, s2  }
0x8d: {  	s2 =	sadd.s32 s2, s17  }
0x8e: {  	[smem:$0x3FC3] =	sst s2  }
0x8f: {  	_ = 	snop  }
0x90: {  	s2 =	sld [smem:$0x3FD0];
	(tm) =	ssettm $0x1  }
0x91: {  	s18 =	sld [smem:$0x3FFB];
	_ =	sdelay $0x3  }
0x92: {  	_ =	strace s18  }
0x93: {  	s3 =	sld [smem:$0x3FFC];
	_ =	sdelay $0x3  }
0x94: {  	_ =	strace s3  }
0x95: {  	s3 =	sld [smem:$0x3FFD];
	_ =	sdelay $0x3  }
0x96: {  	_ =	strace s3  }
0x97: {  	_ =	strace $0x8FFFFFFF  }
0x98: {  	s19 =	sld [smem:$0x3FDB];
	_ =	sdelay $0x1  }
0x99: {  	s4 =	simm.s32 $_scs_section_size  }
0x9a: {  	s5 =	simm.s32 $_size__tile_overlayer_lowered;
	s6 =	simm.s32 $_tile_overlayer_lowered  }
0x9b: {  	s22 =	simm.s32 $0x1BFF;
	s21 =	sshll.u32 s6, $0x1;
	s3 =	sadd.s32 s4, s19  }
0x9c: {  	s7 =	simm.s32 $0x0;
	s20 =	sshll.u32 s5, $0x1;
	s5 =	sadd.s32 s21, s3  }
0x9d: {  	[timem:s7], [sflag:s22] =	dma.local [hbm:s5], s20  }
0x9e: {  	_ =	swait.ge [sflag:s22], s20  }
0x9f: {  	s4 =	ssub.s32 $0x0, s20;
	[sflag:s22] =	ssyncset.done $0x0  }
0xa0: {  	[sflag:s22] =	ssyncadd.s32 s4;
	_ =	sdelay $0x1  }
0xa1: {  	s23 =	simm.s32 $0x1B8B  }
0xa2: {  	_ =	swait.ge [sflag:s23], $0x1  }
0xa3: {  	[sflag:s23] =	ssyncset.done $0x0  }
0xa4: {  	s25 =	simm.s32 $0x1B8E;
	s24 =	sld [smem:$0x3FFE];
	[sflag:s23] =	ssyncadd.s32 $0xFFFFFFFF  }
0xa5: {  	s26 =	simm.s32 $execute0_lowered;
	[smem:$0x3FD2] =	sst s25  }
0xa6: {  	s5 =	sshll.u32 s26, $0x1;
	_ =	strace $0x80000049;
	[dreg:$0x1] =	wrdreg $0xFFFFFFFF  }
0xa7: {  	s28 =	simm.s32 $_size_execute0_lowered;
	s3 =	sadd.s32 s3, s5;
	[dreg:$0x0] =	wrdreg $0x0  }
0xa8: {  	s5 =	sshll.u32 s28, $0x1;
	[dreg:$0x2] =	wrdreg s3  }
0xa9: {  	[dreg:$0x3] =	wrdreg s5  }
0xaa: {  	[dreg:$0x4] =	wrdreg $0xC0  }
0xab: {  	_ =	task [dreg:s7], $0x5FFFF  }
0xac: {  	[dreg:$0x1] =	wrdreg $0xFFFFFFFF  }
0xad: {  	[dreg:$0x0] =	wrdreg $0x60  }
0xae: {  	[dreg:$0x2] =	wrdreg s24  }
0xaf: {  	[dreg:$0x3] =	wrdreg s2  }
0xb0: {  	[dreg:$0x4] =	wrdreg $0xA  }
0xb1: {  	_ =	task.clear_ibuf [dreg:s7], $0x5FFFF;
	_ =	strace $0x90000049  }
0xb2: {  	s29 =	simm.s32 $0xA;
	_ =	strace $0x8000004B  }
0xb3: {  	_ =	swait.ge [sflag:s29], $0x1  }
0xb4: {  	[sflag:s29] =	ssyncadd.s32 $0xFFFFFFFF  }
0xb5: {  	_ =	strace $0x9000004B  }
0xb6: {  	_ =	sfence  }
0xb7: {  	s30 =	sld [smem:$0x0];
	_ =	sdelay $0x2  }
0xb8: {  	s31 =	sshll.u32 s1, $0xD;
	s1 =	sshrl.u32 s1, $0x2  }
0xb9: {  	s3 =	sand.u32 $0x4000, s31;
	s1 =	sadd.s32 s1, s30  }
0xba: {  	s0 =	sor.u32 s3, s0;
	s1 =	sshll.u32 s1, $0x11  }
0xbb: {  	s0 =	sor.u32 s1, s0  }
0xbc: {  	s0 =	sadd.s32 $0x8F2B, s0  }
0xbd: {  	[sflag:s0] =	ssyncadd.remote.s32 $0x1  }
0xbe: {  	_ =	sfence.sel $0xFFFF  }
0xbf: {  	[dreg:$0x0] =	wrdreg $0xFFFFFFFF;
	(pc) =	sbr.abs _section_cstart, $3  }
0xc0: {  	[dreg:$0x1] =	wrdreg $0xFFFFFFFF  }
0xc1: {  	_ =	task.clear_ibuf [dreg:s7], $0x2FFFF;
	_ =	strace $0x9FFFFFFF  }
0xc2: {  	(tm) =	ssettm $0x7FFFFFFF  }
0xc3: {  	_ =	shalt  }
tec
execute0_lowered:
.L_overlay_start_1:
0x0: {  	(tag) =	ssettag $0x1  }
0x1: {  	s2 =	rddreg [dreg:$0x0]  }
0x2: {  	s3 =	rddreg [dreg:$0x1]  }
0x3: {  	s0 =	rddreg [dreg:$0x2];
	s1 =	srdreg.scid;
	_ =	strace $0x8000004A  }
0x4: {  	s4 =	simm.s32 $0x1;
	s9 =	simm.s32 $0x3;
	s5 =	sshll.u32 s1, $0x4  }
.Ltmp0:
0x5: {  	s1 =	stileid.u32;
	s5 =	sand.u32 $0x10, s5;
	(pc) =	sbr.rel .LBB2_1-.Ltmp0, $4  }
0x6: {  	s12 =	simm.s32 $0x0;
	s10 =	simm.s32 $0x0;
	s6 =	sor.u32 s1, s5  }
0x7: {  	[sflag:s4] =	ssyncpa.u1 $0x0;
	s5 =	simm.s32 $0x2;
	s6 =	sshll.u32 s6, $0x6  }
0x8: {  	s7 =	sadd.s32 $0xC4800, s2;
	[sflag:s5] =	ssyncpa.u1 $0x0;
	s8 =	sadd.s32 $0x40, s6  }
0x9: {  	v0 =	vimm.s32 $0x0;
	vm0 =	vmmov $0xff;
	vm1 =	vcmask $0x3F20;
	[sflag:s9] =	ssyncpa.u1 $0x0;
	s9 =	simm.s32 $0x40;
	s11 =	smov.u32 s6  }
.LBB2_9:
0xa: {  	p0 =	seq.s32 s10, $0x2  }
.Ltmp1:
0xb: {  	_ = 	snop;
	(pc) =	sbr.rel @p0 .LBB2_11-.Ltmp1, $1  }
0xc: {  	_ =	sdelay $0x3  }
.LBB2_10:
0xd: {  	s12 =	sadd.s32 $0x40, s11  }
0xe: {  	s13 =	smov.u32 s6;
	p0 =	slt.s32 s12, s8  }
0xf: {  	s13 =	smov.u32 @p0 s12  }
0x10: {  	s10 =	sadd.s32 $0x1, s10;
	s12 =	smov.u32 s11;
	s11 =	smov.u32 s13  }
.LBB2_1:
0x11: {  	p0 =	sne.s32 s10, $0x0  }
.Ltmp2:
0x12: {  	_ = 	snop;
	(pc) =	sbr.rel @!p0 .LBB2_2-.Ltmp2, $1  }
0x13: {  	_ =	sdelay $0x3  }
0x14: {  	s13 =	sand.u32 $0x1, s10  }
0x15: {  	p0 =	seq.s32 s13, $0x0  }
.Ltmp3:
0x16: {  	_ = 	snop;
	(pc) =	sbr.rel @p0 .LBB2_9-.Ltmp3, $1  }
0x17: {  	_ =	sdelay $0x3  }
0x18: {  	_ =	swait.ge [sflag:s5], $0x40  }
0x19: {  	[sflag:s5] =	ssyncset.done $0x0  }
0x1a: {  	s13 =	simm.s32 $0x0;
	[sflag:s5] =	ssyncadd.s32 $0xFFFFFFC0  }
0x1b: {  	v1 =	vld.msk [tilespmem:s13+$0x40 ss:$0x1], $0xffff;
	_ =	sdelay $0x4  }
0x1c: {  	v2 =	vand.u32 $0x1, v1;
	v3 =	vshll.u32 v1, $0x6  }
0x1d: {  	vm2 =	veq.s32 v1, $0x80000000;
	vm3 =	veq.s32 v2, $0x1;
	v1 =	vand.u32 $0x1FFF80, v3  }
0x1e: {  	v2 =	vsel vm3, $0x138800, v0;
	v1 =	vsel vm2, $0xFFFFFF80, v1  }
0x1f: {  	v2 =	vsel vm2, $0xFFEC7800, v2;
	v3 =	vand.u32 $0xFFFFFC00, v1  }
0x20: {  	v1 =	vand.u32 $0x380, v1;
	v2 =	vadd.s32 v2, v3  }
0x21: {  	v1 =	vor.u32 v1, v2  }
0x22: {  	v1 =	vshrl.u32 v1, $0x3;
	_ =	sdelay $0x3  }
0x23: {  	s13 =	simm.s32 $0x2080  }
0x24: {  	[tilespmem:s13], [sflag:$0x1] =	stream.indirect_vreg.gather [hbm:s2], $0x80, v1, vm0, $0x38;
	[tilespmem:$0x4080] =	vst v63  }
0x25: {  	s14 =	simm.s32 $0x2480;
	s31 =	simm.s32 $0x10  }
0x26: {  	[tilespmem:s14], [sflag:$0x1] =	stream.indirect_vreg.gather [hbm:s2], $0x80, v1, vm1, $0x38;
	[tilespmem:$0x4080] =	vst v63  }
0x27: {  	s14 =	simm.s32 $0x80;
	v1 =	vld.msk [tilespmem:s31+$0x40 ss:$0x1], $0xffff  }
.LBB2_5:
0x28: {  	p0 =	sne.s32 s14, $0xC0;
	_ =	sdelay $0x4  }
0x29: {  	v2 =	vand.u32 $0x1, v1;
	v3 =	vshll.u32 v1, $0x6  }
0x2a: {  	vm2 =	veq.s32 v1, $0x80000000;
	vm3 =	veq.s32 v2, $0x1;
	v1 =	vand.u32 $0x1FFF80, v3  }
0x2b: {  	v2 =	vsel vm3, $0x138800, v0;
	v1 =	vsel vm2, $0xFFFFFF80, v1  }
0x2c: {  	v2 =	vsel vm2, $0xFFEC7800, v2;
	v3 =	vand.u32 $0xFFFFFC00, v1  }
0x2d: {  	v1 =	vand.u32 $0x380, v1;
	v2 =	vadd.s32 v2, v3  }
0x2e: {  	v1 =	vor.u32 v1, v2  }
0x2f: {  	v1 =	vshrl.u32 v1, $0x3;
	_ =	sdelay $0x3  }
.Ltmp4:
0x30: {  	s13 =	sadd.s32 $0x800, s13;
	(pc) =	sbr.rel @p0 .LBB2_5-.Ltmp4, $4  }
0x31: {  	[tilespmem:s13], [sflag:$0x1] =	stream.indirect_vreg.gather [hbm:s2], $0x80, v1, vm0, $0x38;
	[tilespmem:$0x4080] =	vst v63  }
0x32: {  	s15 =	sshra.s32 s14, $0x2;
	s16 =	sadd.s32 $0x400, s13  }
0x33: {  	[tilespmem:s16], [sflag:$0x1] =	stream.indirect_vreg.gather [hbm:s2], $0x80, v1, vm1, $0x38;
	[tilespmem:$0x4080] =	vst v63  }
0x34: {  	s14 =	sadd.s32 $0x40, s14;
	v1 =	vld.msk [tilespmem:s15+$0x40 ss:$0x1], $0xffff  }
0x35: {  	_ =	sdelay $0x3  }
0x36: {  	v2 =	vand.u32 $0x1, v1;
	v3 =	vshll.u32 v1, $0x6  }
0x37: {  	vm2 =	veq.s32 v1, $0x80000000;
	vm3 =	veq.s32 v2, $0x1;
	v1 =	vand.u32 $0x1FFF80, v3  }
0x38: {  	v2 =	vsel vm3, $0x138800, v0;
	v1 =	vsel vm2, $0xFFFFFF80, v1  }
0x39: {  	v2 =	vsel vm2, $0xFFEC7800, v2;
	v3 =	vand.u32 $0xFFFFFC00, v1  }
0x3a: {  	v1 =	vand.u32 $0x380, v1;
	v2 =	vadd.s32 v2, v3  }
0x3b: {  	v1 =	vor.u32 v1, v2  }
0x3c: {  	v1 =	vshrl.u32 v1, $0x3;
	_ =	sdelay $0x3  }
0x3d: {  	s13 =	sadd.s32 $0x800, s13  }
0x3e: {  	[tilespmem:s13], [sflag:$0x1] =	stream.indirect_vreg.gather [hbm:s2], $0x80, v1, vm0, $0x38;
	[tilespmem:$0x4080] =	vst v63  }
0x3f: {  	s13 =	sadd.s32 $0x400, s13  }
0x40: {  	[tilespmem:s13], [sflag:$0x1] =	stream.indirect_vreg.gather [hbm:s2], $0x80, v1, vm1, $0x38;
	[tilespmem:$0x4080] =	vst v63  }
0x41: {  	s12 =	sshll.u32 s12, $0x4;
	s14 =	simm.s32 $0x80;
	_ =	swait.ge [sflag:s4], $0x2000  }
0x42: {  	s15 =	simm.s32 $0x2480;
	s12 =	sadd.s32 s12, s7;
	[sflag:s4] =	ssyncset.done $0x0  }
0x43: {  	s16 =	sadd.s32 $0x0, s12;
	s13 =	simm.s32 $0x2080;
	[sflag:s4] =	ssyncadd.s32 $0xFFFFE000  }
.LBB2_7:
0x44: {  	[hbm:s16] =	stream.linear.scatter [tilespmem:s13], [sflag:$0x3], $0x400, $0x38;
	[tilespmem:$0x4080] =	vst v63  }
0x45: {  	s16 =	smov.u32 s14;
	s13 =	smov.u32 s15;
	p0 =	sne.s32 s14, $0x380  }
.Ltmp5:
0x46: {  	s14 =	sadd.s32 $0x80, s14;
	(pc) =	sbr.rel @p0 .LBB2_7-.Ltmp5, $2  }
0x47: {  	_ =	sdelay $0x2  }
0x48: {  	s15 =	sadd.s32 $0x400, s15;
	s16 =	sadd.s32 s16, s12  }
.Ltmp6:
0x49: {  	(pc) =	sbr.rel .LBB2_9-.Ltmp6, $2  }
0x4a: {  	_ =	sdelay $0x2  }
0x4b: {  	[hbm:s16] =	stream.linear.scatter [tilespmem:s13], [sflag:$0x3], $0x400, $0x38;
	[tilespmem:$0x4080] =	vst v63  }
.LBB2_2:
.Ltmp7:
0x4c: {  	(pc) =	sbr.rel .LBB2_10-.Ltmp7, $4  }
0x4d: {  	_ = 	snop  }
0x4e: {  	s12 =	sshrl.u32 s11, $0x3  }
0x4f: {  	s13 =	sand.u32 $0x7, s11;
	s12 =	sadd.s32 s3, s12  }
0x50: {  	[tilespmem:s9], [sflag:$0x2] =	stream.linear.gather [hbm4b:s12+s13], $0x40, $0x38;
	[tilespmem:$0x4080] =	vst v63  }
.LBB2_11:
0x51: {  	s2 =	simm.s32 $0x3  }
0x52: {  	_ =	swait.ge [sflag:s2], $0x2000  }
0x53: {  	[sflag:s2] =	ssyncset.done $0x0  }
0x54: {  	[sflag:s2] =	ssyncadd.s32 $0xFFFFE000  }
0x55: {  	_ =	sfence.sel $0x180000  }
0x56: {  	s3 =	simm.s32 $0x2;
	[bflag:$0x0] =	sbarrier.arrive $0xFFFF  }
0x57: {  	[sflag:s3] =	ssyncpa.u1 $0x1  }
0x58: {  	s31 =	simm.s32 $0x1;
	[sflag:s2] =	ssyncpa.u1 $0x1  }
0x59: {  	[sflag:s31] =	ssyncpa.u1 $0x1  }
0x5a: {  	p0 =	sne.s32 s1, $0x0;
	_ =	strace $0x9000004A  }
0x5b: {  	s0 =	sadd.s32 @!p0 $0x100000, s0;
	[bflag:$0x2] =	sbarrier.arrive $0xFFFF  }
0x5c: {  	[sflag:s0] =	ssyncadd.tile.s32 @!p0 $0x1;
	_ =	shalt  }
.Lfunc_end2:
_tile_overlayer_lowered:
.L_overlay_start_2:
0x5d: {  	(tag) =	ssettag $0x2  }
0x5e: {  	s0 =	rddreg [dreg:$0x0];
	s2 =	stileid.u32  }
0x5f: {  	s1 =	rddreg [dreg:$0x1];
	p0 =	sne.s32 s2, $0x0  }
0x60: {  	s3 =	rddreg [dreg:$0x2];
	[bflag:$0x3] =	sbarrier.arrive $0xFFFF;
	s2 =	simm.s32 @!p0 $0x1C01  }
0x61: {  	[timem:s3], [sflag:s2] =	dma.local @!p0 [hbm:s0], s1  }
0x62: {  	s0 =	simm.s32 @!p0 $0x1  }
0x63: {  	_ =	swait.ge @!p0 [sflag:s0], s1  }
0x64: {  	s1 =	ssub.s32 @!p0 $0x0, s1;
	[sflag:s0] =	ssyncset.done @!p0 $0x0  }
0x65: {  	[sflag:s0] =	ssyncadd.s32 @!p0 s1  }
0x66: {  	[bflag:$0x3] =	sbarrier.arrive $0xFFFF  }
0x67: {  	_ =	shalt  }

// kernel: gather_offload_async_start.5
scs
__scs_entry_jumppad:
0x0: {  	(pc) =	sbr.rel $0x88, $3  }
0x1: {  	(tag) =	ssettag $0x0;
	lr =	simm.s32 $0x1  }
0x2: {  	[smem:$0x3F9C] =	sst lr;
	_ =	strace $0xD0000000  }
0x3: {  	_ = 	snop  }
0x4: {  	_ = 	snop  }
0x5: {  	_ = 	snop  }
0x6: {  	_ = 	snop  }
0x7: {  	_ = 	snop  }
__scs_overlays_trampoline_lowered:
0x8: {  	[smem:$0x3FAB] =	sst s0  }
0x9: {  	[smem:$0x3FAC] =	sst s1  }
0xa: {  	[smem:$0x3FAD] =	sst s2  }
0xb: {  	[smem:$0x3FAE] =	sst s3  }
0xc: {  	[smem:$0x3FAF] =	sst s4  }
0xd: {  	[smem:$0x3FB0] =	sst s5  }
0xe: {  	[smem:$0x3FB1] =	sst s6  }
0xf: {  	[smem:$0x3FB2] =	sst s7  }
0x10: {  	[smem:$0x3FB3] =	sst s8  }
0x11: {  	[smem:$0x3FB4] =	sst s9;
	s0 =	simm.s32 @!p0 $0x0  }
0x12: {  	s1 =	sld [smem:$0x3F9A];
	s0 =	simm.s32 @p0 $0x1  }
0x13: {  	[smem:$0x3FB5] =	sst s0;
	s0 =	simm.s32 @!p1 $0x0  }
0x14: {  	s2 =	sld [smem:$0x3F99];
	s0 =	simm.s32 @p1 $0x1  }
0x15: {  	[smem:$0x3FB6] =	sst s0;
	s0 =	simm.s32 @!p2 $0x0  }
0x16: {  	s3 =	sld [smem:$0x3FDB];
	s0 =	simm.s32 @p2 $0x1  }
0x17: {  	s4 =	simm.s32 $0x1BF5;
	[smem:$0x3FB8] =	sst s0  }
0x18: {  	s0 =	sld [smem:$0x3F9B];
	_ =	swait.ge [sflag:s4], $0x0  }
0x19: {  	s7 =	sld [smem:$0x3F9C]  }
0x1a: {  	s8 =	sadd.s32 $0xFFFFE003, lr  }
0x1b: {  	s9 =	sadd.s32 $0xFFFFFEF7, lr;
	s5 =	simm.s32 $0xFFFFFFFF;
	p2 =	slt.u32 s8, $0xFFFFF086  }
0x1c: {  	p1 =	slt.u32 s9, $0xF7A;
	s5 =	simm.s32 @!p2 $0x0  }
0x1d: {  	s5 =	simm.s32 @p1 $0x1;
	p0 =	seq.s32 s7, s2  }
0x1e: {  	s7 =	smul.u32 @!p0 $0xF7A, s2;
	p2 =	seq.s32 @!p0 s5, $0x0  }
0x1f: {  	s9 =	smul.u32 $0xF7A, s1;
	s8 =	simm.s32 @!p0 $0x1BF5;
	p2 =	por !p2, p0  }
0x20: {  	[sflag:s8] =	ssyncset.s32 @!p0 $0xFFFFF086;
	s6 =	sadd.s32 @!p0 s3, s7;
	s7 =	simm.s32 @!p0 $0x108  }
0x21: {  	s3 =	sadd.s32 s3, s9;
	s6 =	sadd.s32 @!p0 $0x88, s6;
	s7 =	simm.s32 @p2 $0x1082  }
0x22: {  	[simem:s7], [sflag:s8] =	dma.local @!p0 [hbm:s6], $0xF7A  }
0x23: {  	s9 =	sor.u32 $0xD0000000, s2;
	s6 =	simm.s32 $0x108;
	_ =	swait.ge @!p0 [sflag:s8], $0x0  }
0x24: {  	s3 =	sadd.s32 $0x88, s3;
	s6 =	simm.s32 @!p1 $0x1082;
	[sflag:s4] =	ssyncset.s32 $0xFFFFF086  }
0x25: {  	[simem:s6], [sflag:s4] =	dma.local [hbm:s3], $0xF7A  }
0x26: {  	[smem:$0x3F9C] =	sst s1;
	(tag) =	ssettag s2;
	_ =	strace s9  }
0x27: {  	s1 =	sld [smem:$0x3FAC]  }
0x28: {  	s2 =	sld [smem:$0x3FAD]  }
0x29: {  	s4 =	sld [smem:$0x3FAF]  }
0x2a: {  	p0 =	seq.s32 s5, $0x0;
	s5 =	sld [smem:$0x3FB0]  }
0x2b: {  	s6 =	sld [smem:$0x3FB1]  }
0x2c: {  	s7 =	sld [smem:$0x3FB2]  }
0x2d: {  	s3 =	simm.s32 $0x108;
	s8 =	sld [smem:$0x3FB3]  }
0x2e: {  	s3 =	simm.s32 @!p0 $0x1082;
	s9 =	sld [smem:$0x3FB4]  }
0x2f: {  	lr =	sadd.s32 s0, s3;
	s0 =	sld [smem:$0x3FAB]  }
0x30: {  	s3 =	sld [smem:$0x3FAE]  }
0x31: {  	[smem:$0x3FB7] =	sst s10  }
0x32: {  	s10 =	sld [smem:$0x3FB5];
	_ =	sdelay $0x3  }
0x33: {  	p0 =	seq.s32 s10, $0x1;
	s10 =	sld [smem:$0x3FB7];
	_ =	sdelay $0x3  }
0x34: {  	[smem:$0x3FB7] =	sst s10  }
0x35: {  	s10 =	sld [smem:$0x3FB6];
	_ =	sdelay $0x3  }
0x36: {  	p1 =	seq.s32 s10, $0x1;
	s10 =	sld [smem:$0x3FB7];
	_ =	sdelay $0x3  }
0x37: {  	[smem:$0x3FB7] =	sst s10  }
0x38: {  	s10 =	sld [smem:$0x3FB8]  }
0x39: {  	_ = 	snop;
	(pc) =	sbr.ind lr, $3  }
0x3a: {  	_ = 	snop  }
0x3b: {  	_ = 	snop  }
0x3c: {  	p2 =	seq.s32 s10, $0x1;
	s10 =	sld [smem:$0x3FB7]  }
0x3d: {  	_ =	shalt  }
0x3e: {  	_ =	shalt  }
0x3f: {  	_ =	shalt  }
0x40: {  	_ =	shalt  }
0x41: {  	_ =	shalt  }
0x42: {  	_ =	shalt  }
0x43: {  	_ =	shalt  }
0x44: {  	_ =	shalt  }
0x45: {  	_ =	shalt  }
0x46: {  	_ =	shalt  }
0x47: {  	_ =	shalt  }
0x48: {  	_ =	shalt  }
0x49: {  	_ =	shalt  }
0x4a: {  	_ =	shalt  }
0x4b: {  	_ =	shalt  }
0x4c: {  	_ =	shalt  }
0x4d: {  	_ =	shalt  }
0x4e: {  	_ =	shalt  }
0x4f: {  	_ =	shalt  }
0x50: {  	_ =	shalt  }
0x51: {  	_ =	shalt  }
0x52: {  	_ =	shalt  }
0x53: {  	_ =	shalt  }
0x54: {  	_ =	shalt  }
0x55: {  	_ =	shalt  }
0x56: {  	_ =	shalt  }
0x57: {  	_ =	shalt  }
0x58: {  	_ =	shalt  }
0x59: {  	_ =	shalt  }
0x5a: {  	_ =	shalt  }
0x5b: {  	_ =	shalt  }
0x5c: {  	_ =	shalt  }
0x5d: {  	_ =	shalt  }
0x5e: {  	_ =	shalt  }
0x5f: {  	_ =	shalt  }
0x60: {  	_ =	shalt  }
0x61: {  	_ =	shalt  }
0x62: {  	_ =	shalt  }
0x63: {  	_ =	shalt  }
0x64: {  	_ =	shalt  }
0x65: {  	_ =	shalt  }
0x66: {  	_ =	shalt  }
0x67: {  	_ =	shalt  }
0x68: {  	_ =	shalt  }
0x69: {  	_ =	shalt  }
0x6a: {  	_ =	shalt  }
0x6b: {  	_ =	shalt  }
0x6c: {  	_ =	shalt  }
0x6d: {  	_ =	shalt  }
0x6e: {  	_ =	shalt  }
0x6f: {  	_ =	shalt  }
0x70: {  	_ =	shalt  }
0x71: {  	_ =	shalt  }
0x72: {  	_ =	shalt  }
0x73: {  	_ =	shalt  }
0x74: {  	_ =	shalt  }
0x75: {  	_ =	shalt  }
0x76: {  	_ =	shalt  }
0x77: {  	_ =	shalt  }
0x78: {  	_ =	shalt  }
0x79: {  	_ =	shalt  }
0x7a: {  	_ =	shalt  }
0x7b: {  	_ =	shalt  }
0x7c: {  	_ =	shalt  }
0x7d: {  	_ =	shalt  }
0x7e: {  	_ =	shalt  }
0x7f: {  	_ =	shalt  }
0x80: {  	_ =	shalt  }
0x81: {  	_ =	shalt  }
0x82: {  	_ =	shalt  }
0x83: {  	_ =	shalt  }
0x84: {  	_ =	shalt  }
0x85: {  	_ =	shalt  }
0x86: {  	_ =	shalt  }
0x87: {  	_ =	shalt  }
.Lfunc_end0:
.L_simem_size_0:
called_computation.5_lowered:
.L_overlay_start_0:
0x88: {  	s0 =	sld [smem:$0x3FD9]  }
0x89: {  	s1 =	sld [smem:$0x3FFE];
	_ =	sdelay $0x3  }
0x8a: {  	s0 =	sadd.s32 s1, s0  }
0x8b: {  	[smem:$0x3FC3] =	sst s0  }
0x8c: {  	_ = 	snop  }
0x8d: {  	s0 =	sld [smem:$0x3FD0];
	(tm) =	ssettm $0x1  }
0x8e: {  	s16 =	sld [smem:$0x3FFB];
	_ =	sdelay $0x3  }
0x8f: {  	_ =	strace s16  }
0x90: {  	s1 =	sld [smem:$0x3FFC];
	_ =	sdelay $0x3  }
0x91: {  	_ =	strace s1  }
0x92: {  	s1 =	sld [smem:$0x3FFD];
	_ =	sdelay $0x3  }
0x93: {  	_ =	strace s1  }
0x94: {  	_ =	strace $0x8FFFFFFF  }
0x95: {  	s17 =	sld [smem:$0x3FDB];
	_ =	sdelay $0x1  }
0x96: {  	s2 =	simm.s32 $_scs_section_size  }
0x97: {  	s3 =	simm.s32 $_size__tile_overlayer_lowered;
	s4 =	simm.s32 $_tile_overlayer_lowered  }
0x98: {  	s20 =	simm.s32 $0x1BFF;
	s19 =	sshll.u32 s4, $0x1;
	s1 =	sadd.s32 s2, s17  }
0x99: {  	s5 =	simm.s32 $0x0;
	s18 =	sshll.u32 s3, $0x1;
	s3 =	sadd.s32 s19, s1  }
0x9a: {  	[timem:s5], [sflag:s20] =	dma.local [hbm:s3], s18  }
0x9b: {  	_ =	swait.ge [sflag:s20], s18  }
0x9c: {  	s2 =	ssub.s32 $0x0, s18;
	[sflag:s20] =	ssyncset.done $0x0  }
0x9d: {  	[sflag:s20] =	ssyncadd.s32 s2;
	_ =	sdelay $0x1  }
0x9e: {  	s21 =	simm.s32 $0x1B8B  }
0x9f: {  	_ =	swait.ge [sflag:s21], $0x1  }
0xa0: {  	[sflag:s21] =	ssyncset.done $0x0  }
0xa1: {  	s23 =	simm.s32 $0x1B8E;
	s22 =	sld [smem:$0x3FFE];
	[sflag:s21] =	ssyncadd.s32 $0xFFFFFFFF  }
0xa2: {  	s24 =	simm.s32 $execute0_lowered;
	[smem:$0x3FD2] =	sst s23  }
0xa3: {  	s3 =	sshll.u32 s24, $0x1;
	_ =	strace $0x80000055;
	[dreg:$0x1] =	wrdreg $0xFFFFFFFF  }
0xa4: {  	s25 =	simm.s32 $_size_execute0_lowered;
	s1 =	sadd.s32 s1, s3;
	[dreg:$0x0] =	wrdreg $0x0  }
0xa5: {  	s3 =	sshll.u32 s25, $0x1;
	[dreg:$0x2] =	wrdreg s1  }
0xa6: {  	[dreg:$0x3] =	wrdreg s3  }
0xa7: {  	[dreg:$0x4] =	wrdreg $0xC0  }
0xa8: {  	_ =	task [dreg:s5], $0x5FFFF  }
0xa9: {  	[dreg:$0x1] =	wrdreg $0xFFFFFFFF  }
0xaa: {  	[dreg:$0x0] =	wrdreg $0x60  }
0xab: {  	[dreg:$0x2] =	wrdreg s22  }
0xac: {  	[dreg:$0x3] =	wrdreg s0  }
0xad: {  	[dreg:$0x4] =	wrdreg $0x9  }
0xae: {  	_ =	task.clear_ibuf [dreg:s5], $0x5FFFF;
	_ =	strace $0x90000055  }
0xaf: {  	s26 =	simm.s32 $0x9;
	_ =	strace $0x80000057  }
0xb0: {  	_ =	swait.ge [sflag:s26], $0x1  }
0xb1: {  	[sflag:s26] =	ssyncadd.s32 $0xFFFFFFFF  }
0xb2: {  	_ =	strace $0x90000057  }
0xb3: {  	_ =	sfence  }
0xb4: {  	s28 =	sld [smem:$0x0];
	_ =	sdelay $0x1  }
0xb5: {  	s29 =	srdreg.scid  }
0xb6: {  	s30 =	sshll.u32 s29, $0xD;
	s31 =	sshrl.u32 s29, $0x2  }
0xb7: {  	s2 =	sand.u32 $0x4000, s30;
	s1 =	sand.u32 $0x1, s29;
	s0 =	sadd.s32 s31, s28  }
0xb8: {  	s1 =	sor.u32 s2, s1;
	s0 =	sshll.u32 s0, $0x11  }
0xb9: {  	s0 =	sor.u32 s0, s1  }
0xba: {  	s0 =	sadd.s32 $0x8F2B, s0  }
0xbb: {  	[sflag:s0] =	ssyncadd.remote.s32 $0x1  }
0xbc: {  	_ =	sfence.sel $0xFFFF  }
0xbd: {  	[dreg:$0x0] =	wrdreg $0xFFFFFFFF;
	(pc) =	sbr.abs _section_cstart, $3  }
0xbe: {  	[dreg:$0x1] =	wrdreg $0xFFFFFFFF  }
0xbf: {  	_ =	task.clear_ibuf [dreg:s5], $0x2FFFF;
	_ =	strace $0x9FFFFFFF  }
0xc0: {  	(tm) =	ssettm $0x7FFFFFFF  }
0xc1: {  	_ =	shalt  }
tec
execute0_lowered:
.L_overlay_start_1:
0x0: {  	(tag) =	ssettag $0x1  }
0x1: {  	s0 =	stileid.u32  }
0x2: {  	s1 =	smin.u32 s0, $0x9  }
0x3: {  	s1 =	sadd.s32 s0, s1  }
0x4: {  	s2 =	simm.s32 $0xA0;
	p0 =	slt.u32 s0, $0x9;
	s1 =	smul.u32 $0x50, s1  }
0x5: {  	s2 =	simm.s32 @!p0 $0x50  }
0x6: {  	s2 =	sadd.s32 s2, s1  }
0x7: {  	s3 =	smin.u32 s2, $0x7D0  }
0x8: {  	s7 =	ssub.s32 s3, s1  }
0x9: {  	p0 =	sgt.s32 s7, $0x0  }
0xa: {  	s7 =	simm.s32 @!p0 $0x0  }
0xb: {  	s4 =	rddreg [dreg:$0x0];
	s31 =	smul.u32 $0xCCCD, s7  }
0xc: {  	s5 =	rddreg [dreg:$0x1]  }
0xd: {  	s6 =	simm.s32 $0x1;
	s10 =	simm.s32 $0x3;
	s8 =	sshrl.u32 s31, $0x16  }
0xe: {  	s13 =	simm.s32 $0x0;
	s12 =	simm.s32 $0x0;
	s9 =	smul.u32 $0x50, s8  }
.Ltmp0:
0xf: {  	s11 =	smov.u32 s1;
	s2 =	rddreg [dreg:$0x2];
	(pc) =	sbr.rel .LBB2_1-.Ltmp0, $4  }
0x10: {  	_ =	strace $0x80000056;
	p0 =	sne.s32 s7, s9;
	s9 =	simm.s32 $0x1  }
0x11: {  	[sflag:s6] =	ssyncpa.u1 $0x0;
	s7 =	simm.s32 $0x2;
	s9 =	simm.s32 @!p0 $0x0  }
0x12: {  	[sflag:s7] =	ssyncpa.u1 $0x0;
	p0 =	por $0x0, $0x0;
	s8 =	sadd.s32 s8, s9  }
0x13: {  	vm0 =	vmmov $0xff;
	vm1 =	vcmask $0x3F20;
	s9 =	sadd.s32 $0x8200, s4;
	[sflag:s10] =	ssyncpa.u1 $0x0;
	s10 =	sadd.s32 $0x1, s8  }
.LBB2_6:
0x14: {  	[hbm:s17] =	stream.linear.scatter [tilespmem:s14], [sflag:$0x3], $0x400, $0x38;
	[tilespmem:$0x50A0] =	vst v63  }
.LBB2_7:
0x15: {  	s13 =	sadd.s32 $0x50, s11  }
0x16: {  	s15 =	smov.u32 s1;
	p2 =	slt.s32 s13, s3  }
0x17: {  	s15 =	smov.u32 @p2 s13;
	p2 =	sne.s32 s12, s10  }
.Ltmp1:
0x18: {  	p1 =	slt.u32 s12, $0x2;
	(pc) =	sbr.rel @!p2 .LBB2_8-.Ltmp1, $4  }
0x19: {  	s14 =	simm.s32 @!p1 $0x3  }
0x1a: {  	s16 =	sadd.s32 $0x1, s12;
	_ =	swait.ge @!p1 [sflag:s14], $0x2800  }
0x1b: {  	p0 =	por !p0, !p0;
	s13 =	smov.u32 s11;
	[sflag:s14] =	ssyncset.done @!p1 $0x0  }
0x1c: {  	s12 =	smov.u32 s16;
	s11 =	smov.u32 s15;
	[sflag:s14] =	ssyncadd.s32 @!p1 $0xFFFFD800  }
.LBB2_1:
0x1d: {  	p1 =	sge.u32 s12, s8  }
0x1e: {  	s14 =	sxor.u32 @!p1 $0xFFFFFFFF, s12  }
0x1f: {  	s14 =	sand.u32 @!p1 $0x1, s14  }
0x20: {  	s14 =	smul.u32 @!p1 $0x140, s14  }
0x21: {  	s31 =	sadd.s32 $0xFFFFFFFF, s12;
	s15 =	sshrl.u32 @!p1 s11, $0x3  }
0x22: {  	s16 =	sand.u32 @!p1 $0x7, s11;
	s15 =	sadd.s32 @!p1 s5, s15;
	s14 =	sshrl.u32 @!p1 s14, $0x2  }
0x23: {  	[tilespmem:s14], [sflag:$0x2] =	stream.linear.gather @!p1 [hbm4b:s15+s16], $0x50, $0x38;
	[tilespmem:$0x50A0] =	vst v63  }
0x24: {  	p1 =	sge.u32 s31, s8  }
.Ltmp2:
0x25: {  	_ = 	snop;
	(pc) =	sbr.rel @p1 .LBB2_7-.Ltmp2, $1  }
0x26: {  	_ =	sdelay $0x3  }
0x27: {  	s14 =	simm.s32 $0x1  }
0x28: {  	s14 =	simm.s32 @!p0 $0x0  }
0x29: {  	s15 =	smul.u32 $0x140, s14  }
0x2a: {  	_ =	swait.ge [sflag:s7], $0x50  }
0x2b: {  	[sflag:s7] =	ssyncset.done $0x0;
	s16 =	sshrl.u32 s15, $0x2  }
0x2c: {  	[sflag:s7] =	ssyncadd.s32 $0xFFFFFFB0;
	s15 =	sadd.s32 $0x0, s16  }
0x2d: {  	v0 =	vld.msk [tilespmem:s15+$0x0 ss:$0x1], $0xffff;
	_ =	sdelay $0x4  }
0x2e: {  	v1 =	vshll.u32 v0, $0x6  }
0x2f: {  	vm2 =	veq.s32 v0, $0x80000000;
	v0 =	vshll.u32 v0, $0x11;
	v1 =	vand.u32 $0x1FF80, v1  }
0x30: {  	v0 =	vand.u32 $0x20000, v0;
	v1 =	vsel vm2, $0xFFFFFF80, v1  }
0x31: {  	v0 =	vsel vm2, $0xFFFE0000, v0;
	v2 =	vand.u32 $0xFFFFFC00, v1  }
0x32: {  	v1 =	vand.u32 $0x380, v1;
	v0 =	vadd.s32 v0, v2  }
0x33: {  	v0 =	vor.u32 v1, v0  }
0x34: {  	v0 =	vshrl.u32 v0, $0x3  }
0x35: {  	s14 =	smul.u32 $0xA000, s14;
	_ =	sdelay $0x1  }
0x36: {  	s14 =	sshrl.u32 s14, $0x2  }
0x37: {  	s14 =	sor.u32 $0xA0, s14  }
0x38: {  	[tilespmem:s14], [sflag:$0x1] =	stream.indirect_vreg.gather [hbm:s4], $0x80, v0, vm0, $0x38;
	[tilespmem:$0x50A0] =	vst v63  }
0x39: {  	s17 =	sadd.s32 $0x10, s16;
	s15 =	sadd.s32 $0x400, s14  }
0x3a: {  	[tilespmem:s15], [sflag:$0x1] =	stream.indirect_vreg.gather [hbm:s4], $0x80, v0, vm1, $0x38;
	[tilespmem:$0x50A0] =	vst v63  }
0x3b: {  	s18 =	simm.s32 $0x80;
	v0 =	vld.msk [tilespmem:s17+$0x0 ss:$0x1], $0xffff;
	s17 =	smov.u32 s14  }
.LBB2_3:
0x3c: {  	p1 =	sne.s32 s18, $0x100;
	_ =	sdelay $0x4  }
0x3d: {  	v1 =	vshll.u32 v0, $0x6  }
0x3e: {  	vm2 =	veq.s32 v0, $0x80000000;
	v0 =	vshll.u32 v0, $0x11;
	v1 =	vand.u32 $0x1FF80, v1  }
0x3f: {  	v0 =	vand.u32 $0x20000, v0;
	v1 =	vsel vm2, $0xFFFFFF80, v1  }
0x40: {  	v0 =	vsel vm2, $0xFFFE0000, v0;
	v2 =	vand.u32 $0xFFFFFC00, v1  }
0x41: {  	v1 =	vand.u32 $0x380, v1;
	v0 =	vadd.s32 v0, v2  }
0x42: {  	v0 =	vor.u32 v1, v0  }
0x43: {  	v0 =	vshrl.u32 v0, $0x3;
	_ =	sdelay $0x3  }
.Ltmp3:
0x44: {  	s19 =	sshra.s32 s18, $0x2;
	s17 =	sadd.s32 $0x800, s17;
	(pc) =	sbr.rel @p1 .LBB2_3-.Ltmp3, $4  }
0x45: {  	[tilespmem:s17], [sflag:$0x1] =	stream.indirect_vreg.gather [hbm:s4], $0x80, v0, vm0, $0x38;
	[tilespmem:$0x50A0] =	vst v63  }
0x46: {  	s19 =	sadd.s32 s19, s16;
	s20 =	sadd.s32 $0x400, s17  }
0x47: {  	[tilespmem:s20], [sflag:$0x1] =	stream.indirect_vreg.gather [hbm:s4], $0x80, v0, vm1, $0x38;
	[tilespmem:$0x50A0] =	vst v63  }
0x48: {  	s18 =	sadd.s32 $0x40, s18;
	v0 =	vld.msk [tilespmem:s19+$0x0 ss:$0x1], $0xffff  }
0x49: {  	_ =	sdelay $0x3  }
0x4a: {  	v1 =	vshll.u32 v0, $0x6  }
0x4b: {  	vm2 =	veq.s32 v0, $0x80000000;
	v63 =	vshll.u32 v0, $0x11;
	v1 =	vand.u32 $0x1FF80, v1  }
0x4c: {  	v0 =	vand.u32 $0x20000, v63;
	v1 =	vsel vm2, $0xFFFFFF80, v1  }
0x4d: {  	v0 =	vsel vm2, $0xFFFE0000, v0;
	v2 =	vand.u32 $0xFFFFFC00, v1  }
0x4e: {  	v1 =	vand.u32 $0x380, v1;
	v0 =	vadd.s32 v0, v2  }
0x4f: {  	v0 =	vor.u32 v1, v0  }
0x50: {  	v0 =	vshrl.u32 v0, $0x3;
	_ =	sdelay $0x3  }
0x51: {  	s16 =	sadd.s32 $0x800, s17  }
0x52: {  	[tilespmem:s16], [sflag:$0x1] =	stream.indirect_vreg.gather [hbm:s4], $0x80, v0, vm0, $0x38;
	[tilespmem:$0x50A0] =	vst v63  }
0x53: {  	s16 =	sadd.s32 $0x400, s16  }
0x54: {  	[tilespmem:s16], [sflag:$0x1] =	stream.indirect_vreg.gather [hbm:s4], $0x80, v0, vm1, $0x38;
	[tilespmem:$0x50A0] =	vst v63  }
0x55: {  	s13 =	sshll.u32 s13, $0x4;
	_ =	swait.ge [sflag:s6], $0x2800  }
0x56: {  	s13 =	sadd.s32 s13, s9;
	[sflag:s6] =	ssyncset.done $0x0  }
0x57: {  	s17 =	sadd.s32 $0x0, s13;
	s16 =	simm.s32 $0x80;
	[sflag:s6] =	ssyncadd.s32 $0xFFFFD800  }
.LBB2_5:
0x58: {  	[hbm:s17] =	stream.linear.scatter [tilespmem:s14], [sflag:$0x3], $0x400, $0x38;
	[tilespmem:$0x50A0] =	vst v63  }
0x59: {  	s17 =	smov.u32 s16;
	s14 =	smov.u32 s15;
	p1 =	sne.s32 s16, $0x480  }
.Ltmp4:
0x5a: {  	s16 =	sadd.s32 $0x80, s16;
	(pc) =	sbr.rel @p1 .LBB2_5-.Ltmp4, $2  }
0x5b: {  	_ =	sdelay $0x2  }
0x5c: {  	s15 =	sadd.s32 $0x400, s15;
	s17 =	sadd.s32 s17, s13  }
.Ltmp5:
0x5d: {  	_ = 	snop;
	(pc) =	sbr.rel .LBB2_6-.Ltmp5, $1  }
0x5e: {  	_ =	sdelay $0x3  }
.LBB2_8:
0x5f: {  	_ =	sfence.sel $0x180000  }
0x60: {  	s1 =	simm.s32 $0x2;
	[bflag:$0x0] =	sbarrier.arrive $0xFFFF  }
0x61: {  	s30 =	simm.s32 $0x3;
	[sflag:s1] =	ssyncpa.u1 $0x1  }
0x62: {  	s31 =	simm.s32 $0x1;
	[sflag:s30] =	ssyncpa.u1 $0x1  }
0x63: {  	[sflag:s31] =	ssyncpa.u1 $0x1  }
0x64: {  	p0 =	sne.s32 s0, $0x0;
	_ =	strace $0x90000056  }
0x65: {  	s0 =	sadd.s32 @!p0 $0x100000, s2;
	[bflag:$0x2] =	sbarrier.arrive $0xFFFF  }
0x66: {  	[sflag:s0] =	ssyncadd.tile.s32 @!p0 $0x1;
	_ =	shalt  }
.Lfunc_end2:
_tile_overlayer_lowered:
.L_overlay_start_2:
0x67: {  	(tag) =	ssettag $0x2  }
0x68: {  	s0 =	rddreg [dreg:$0x0];
	s2 =	stileid.u32  }
0x69: {  	s1 =	rddreg [dreg:$0x1];
	p0 =	sne.s32 s2, $0x0  }
0x6a: {  	s3 =	rddreg [dreg:$0x2];
	[bflag:$0x3] =	sbarrier.arrive $0xFFFF;
	s2 =	simm.s32 @!p0 $0x1C01  }
0x6b: {  	[timem:s3], [sflag:s2] =	dma.local @!p0 [hbm:s0], s1  }
0x6c: {  	s0 =	simm.s32 @!p0 $0x1  }
0x6d: {  	_ =	swait.ge @!p0 [sflag:s0], s1  }
0x6e: {  	s1 =	ssub.s32 @!p0 $0x0, s1;
	[sflag:s0] =	ssyncset.done @!p0 $0x0  }
0x6f: {  	[sflag:s0] =	ssyncadd.s32 @!p0 s1  }
0x70: {  	[bflag:$0x3] =	sbarrier.arrive $0xFFFF  }
0x71: {  	_ =	shalt  }

// kernel: gather_offload_async_start.6
scs
__scs_entry_jumppad:
0x0: {  	(pc) =	sbr.rel $0x88, $3  }
0x1: {  	(tag) =	ssettag $0x0;
	lr =	simm.s32 $0x1  }
0x2: {  	[smem:$0x3F9C] =	sst lr;
	_ =	strace $0xD0000000  }
0x3: {  	_ = 	snop  }
0x4: {  	_ = 	snop  }
0x5: {  	_ = 	snop  }
0x6: {  	_ = 	snop  }
0x7: {  	_ = 	snop  }
__scs_overlays_trampoline_lowered:
0x8: {  	[smem:$0x3FAB] =	sst s0  }
0x9: {  	[smem:$0x3FAC] =	sst s1  }
0xa: {  	[smem:$0x3FAD] =	sst s2  }
0xb: {  	[smem:$0x3FAE] =	sst s3  }
0xc: {  	[smem:$0x3FAF] =	sst s4  }
0xd: {  	[smem:$0x3FB0] =	sst s5  }
0xe: {  	[smem:$0x3FB1] =	sst s6  }
0xf: {  	[smem:$0x3FB2] =	sst s7  }
0x10: {  	[smem:$0x3FB3] =	sst s8  }
0x11: {  	[smem:$0x3FB4] =	sst s9;
	s0 =	simm.s32 @!p0 $0x0  }
0x12: {  	s1 =	sld [smem:$0x3F9A];
	s0 =	simm.s32 @p0 $0x1  }
0x13: {  	[smem:$0x3FB5] =	sst s0;
	s0 =	simm.s32 @!p1 $0x0  }
0x14: {  	s2 =	sld [smem:$0x3F99];
	s0 =	simm.s32 @p1 $0x1  }
0x15: {  	[smem:$0x3FB6] =	sst s0;
	s0 =	simm.s32 @!p2 $0x0  }
0x16: {  	s3 =	sld [smem:$0x3FDB];
	s0 =	simm.s32 @p2 $0x1  }
0x17: {  	s4 =	simm.s32 $0x1BF5;
	[smem:$0x3FB8] =	sst s0  }
0x18: {  	s0 =	sld [smem:$0x3F9B];
	_ =	swait.ge [sflag:s4], $0x0  }
0x19: {  	s7 =	sld [smem:$0x3F9C]  }
0x1a: {  	s8 =	sadd.s32 $0xFFFFE003, lr  }
0x1b: {  	s9 =	sadd.s32 $0xFFFFFEF7, lr;
	s5 =	simm.s32 $0xFFFFFFFF;
	p2 =	slt.u32 s8, $0xFFFFF086  }
0x1c: {  	p1 =	slt.u32 s9, $0xF7A;
	s5 =	simm.s32 @!p2 $0x0  }
0x1d: {  	s5 =	simm.s32 @p1 $0x1;
	p0 =	seq.s32 s7, s2  }
0x1e: {  	s7 =	smul.u32 @!p0 $0xF7A, s2;
	p2 =	seq.s32 @!p0 s5, $0x0  }
0x1f: {  	s9 =	smul.u32 $0xF7A, s1;
	s8 =	simm.s32 @!p0 $0x1BF5;
	p2 =	por !p2, p0  }
0x20: {  	[sflag:s8] =	ssyncset.s32 @!p0 $0xFFFFF086;
	s6 =	sadd.s32 @!p0 s3, s7;
	s7 =	simm.s32 @!p0 $0x108  }
0x21: {  	s3 =	sadd.s32 s3, s9;
	s6 =	sadd.s32 @!p0 $0x88, s6;
	s7 =	simm.s32 @p2 $0x1082  }
0x22: {  	[simem:s7], [sflag:s8] =	dma.local @!p0 [hbm:s6], $0xF7A  }
0x23: {  	s9 =	sor.u32 $0xD0000000, s2;
	s6 =	simm.s32 $0x108;
	_ =	swait.ge @!p0 [sflag:s8], $0x0  }
0x24: {  	s3 =	sadd.s32 $0x88, s3;
	s6 =	simm.s32 @!p1 $0x1082;
	[sflag:s4] =	ssyncset.s32 $0xFFFFF086  }
0x25: {  	[simem:s6], [sflag:s4] =	dma.local [hbm:s3], $0xF7A  }
0x26: {  	[smem:$0x3F9C] =	sst s1;
	(tag) =	ssettag s2;
	_ =	strace s9  }
0x27: {  	s1 =	sld [smem:$0x3FAC]  }
0x28: {  	s2 =	sld [smem:$0x3FAD]  }
0x29: {  	s4 =	sld [smem:$0x3FAF]  }
0x2a: {  	p0 =	seq.s32 s5, $0x0;
	s5 =	sld [smem:$0x3FB0]  }
0x2b: {  	s6 =	sld [smem:$0x3FB1]  }
0x2c: {  	s7 =	sld [smem:$0x3FB2]  }
0x2d: {  	s3 =	simm.s32 $0x108;
	s8 =	sld [smem:$0x3FB3]  }
0x2e: {  	s3 =	simm.s32 @!p0 $0x1082;
	s9 =	sld [smem:$0x3FB4]  }
0x2f: {  	lr =	sadd.s32 s0, s3;
	s0 =	sld [smem:$0x3FAB]  }
0x30: {  	s3 =	sld [smem:$0x3FAE]  }
0x31: {  	[smem:$0x3FB7] =	sst s10  }
0x32: {  	s10 =	sld [smem:$0x3FB5];
	_ =	sdelay $0x3  }
0x33: {  	p0 =	seq.s32 s10, $0x1;
	s10 =	sld [smem:$0x3FB7];
	_ =	sdelay $0x3  }
0x34: {  	[smem:$0x3FB7] =	sst s10  }
0x35: {  	s10 =	sld [smem:$0x3FB6];
	_ =	sdelay $0x3  }
0x36: {  	p1 =	seq.s32 s10, $0x1;
	s10 =	sld [smem:$0x3FB7];
	_ =	sdelay $0x3  }
0x37: {  	[smem:$0x3FB7] =	sst s10  }
0x38: {  	s10 =	sld [smem:$0x3FB8]  }
0x39: {  	_ = 	snop;
	(pc) =	sbr.ind lr, $3  }
0x3a: {  	_ = 	snop  }
0x3b: {  	_ = 	snop  }
0x3c: {  	p2 =	seq.s32 s10, $0x1;
	s10 =	sld [smem:$0x3FB7]  }
0x3d: {  	_ =	shalt  }
0x3e: {  	_ =	shalt  }
0x3f: {  	_ =	shalt  }
0x40: {  	_ =	shalt  }
0x41: {  	_ =	shalt  }
0x42: {  	_ =	shalt  }
0x43: {  	_ =	shalt  }
0x44: {  	_ =	shalt  }
0x45: {  	_ =	shalt  }
0x46: {  	_ =	shalt  }
0x47: {  	_ =	shalt  }
0x48: {  	_ =	shalt  }
0x49: {  	_ =	shalt  }
0x4a: {  	_ =	shalt  }
0x4b: {  	_ =	shalt  }
0x4c: {  	_ =	shalt  }
0x4d: {  	_ =	shalt  }
0x4e: {  	_ =	shalt  }
0x4f: {  	_ =	shalt  }
0x50: {  	_ =	shalt  }
0x51: {  	_ =	shalt  }
0x52: {  	_ =	shalt  }
0x53: {  	_ =	shalt  }
0x54: {  	_ =	shalt  }
0x55: {  	_ =	shalt  }
0x56: {  	_ =	shalt  }
0x57: {  	_ =	shalt  }
0x58: {  	_ =	shalt  }
0x59: {  	_ =	shalt  }
0x5a: {  	_ =	shalt  }
0x5b: {  	_ =	shalt  }
0x5c: {  	_ =	shalt  }
0x5d: {  	_ =	shalt  }
0x5e: {  	_ =	shalt  }
0x5f: {  	_ =	shalt  }
0x60: {  	_ =	shalt  }
0x61: {  	_ =	shalt  }
0x62: {  	_ =	shalt  }
0x63: {  	_ =	shalt  }
0x64: {  	_ =	shalt  }
0x65: {  	_ =	shalt  }
0x66: {  	_ =	shalt  }
0x67: {  	_ =	shalt  }
0x68: {  	_ =	shalt  }
0x69: {  	_ =	shalt  }
0x6a: {  	_ =	shalt  }
0x6b: {  	_ =	shalt  }
0x6c: {  	_ =	shalt  }
0x6d: {  	_ =	shalt  }
0x6e: {  	_ =	shalt  }
0x6f: {  	_ =	shalt  }
0x70: {  	_ =	shalt  }
0x71: {  	_ =	shalt  }
0x72: {  	_ =	shalt  }
0x73: {  	_ =	shalt  }
0x74: {  	_ =	shalt  }
0x75: {  	_ =	shalt  }
0x76: {  	_ =	shalt  }
0x77: {  	_ =	shalt  }
0x78: {  	_ =	shalt  }
0x79: {  	_ =	shalt  }
0x7a: {  	_ =	shalt  }
0x7b: {  	_ =	shalt  }
0x7c: {  	_ =	shalt  }
0x7d: {  	_ =	shalt  }
0x7e: {  	_ =	shalt  }
0x7f: {  	_ =	shalt  }
0x80: {  	_ =	shalt  }
0x81: {  	_ =	shalt  }
0x82: {  	_ =	shalt  }
0x83: {  	_ =	shalt  }
0x84: {  	_ =	shalt  }
0x85: {  	_ =	shalt  }
0x86: {  	_ =	shalt  }
0x87: {  	_ =	shalt  }
.Lfunc_end0:
.L_simem_size_0:
called_computation.6_lowered:
.L_overlay_start_0:
0x88: {  	s0 =	sld [smem:$0x3FD9]  }
0x89: {  	s1 =	sld [smem:$0x3FFE];
	_ =	sdelay $0x3  }
0x8a: {  	s0 =	sadd.s32 s1, s0  }
0x8b: {  	[smem:$0x3FC3] =	sst s0  }
0x8c: {  	_ = 	snop  }
0x8d: {  	s0 =	sld [smem:$0x3FD0];
	(tm) =	ssettm $0x1  }
0x8e: {  	s16 =	sld [smem:$0x3FFB];
	_ =	sdelay $0x3  }
0x8f: {  	_ =	strace s16  }
0x90: {  	s1 =	sld [smem:$0x3FFC];
	_ =	sdelay $0x3  }
0x91: {  	_ =	strace s1  }
0x92: {  	s1 =	sld [smem:$0x3FFD];
	_ =	sdelay $0x3  }
0x93: {  	_ =	strace s1  }
0x94: {  	_ =	strace $0x8FFFFFFF  }
0x95: {  	s17 =	sld [smem:$0x3FDB];
	_ =	sdelay $0x1  }
0x96: {  	s2 =	simm.s32 $_scs_section_size  }
0x97: {  	s3 =	simm.s32 $_size__tile_overlayer_lowered;
	s4 =	simm.s32 $_tile_overlayer_lowered  }
0x98: {  	s20 =	simm.s32 $0x1BFF;
	s19 =	sshll.u32 s4, $0x1;
	s1 =	sadd.s32 s2, s17  }
0x99: {  	s5 =	simm.s32 $0x0;
	s18 =	sshll.u32 s3, $0x1;
	s3 =	sadd.s32 s19, s1  }
0x9a: {  	[timem:s5], [sflag:s20] =	dma.local [hbm:s3], s18  }
0x9b: {  	_ =	swait.ge [sflag:s20], s18  }
0x9c: {  	s2 =	ssub.s32 $0x0, s18;
	[sflag:s20] =	ssyncset.done $0x0  }
0x9d: {  	[sflag:s20] =	ssyncadd.s32 s2;
	_ =	sdelay $0x1  }
0x9e: {  	s21 =	simm.s32 $0x1B8B  }
0x9f: {  	_ =	swait.ge [sflag:s21], $0x1  }
0xa0: {  	[sflag:s21] =	ssyncset.done $0x0  }
0xa1: {  	s23 =	simm.s32 $0x1B8E;
	s22 =	sld [smem:$0x3FFE];
	[sflag:s21] =	ssyncadd.s32 $0xFFFFFFFF  }
0xa2: {  	s24 =	simm.s32 $execute0_lowered;
	[smem:$0x3FD2] =	sst s23  }
0xa3: {  	s3 =	sshll.u32 s24, $0x1;
	_ =	strace $0x8000005B;
	[dreg:$0x1] =	wrdreg $0xFFFFFFFF  }
0xa4: {  	s25 =	simm.s32 $_size_execute0_lowered;
	s1 =	sadd.s32 s1, s3;
	[dreg:$0x0] =	wrdreg $0x0  }
0xa5: {  	s3 =	sshll.u32 s25, $0x1;
	[dreg:$0x2] =	wrdreg s1  }
0xa6: {  	[dreg:$0x3] =	wrdreg s3  }
0xa7: {  	[dreg:$0x4] =	wrdreg $0xC0  }
0xa8: {  	_ =	task [dreg:s5], $0x5FFFF  }
0xa9: {  	[dreg:$0x1] =	wrdreg $0xFFFFFFFF  }
0xaa: {  	[dreg:$0x0] =	wrdreg $0x60  }
0xab: {  	[dreg:$0x2] =	wrdreg s22  }
0xac: {  	[dreg:$0x3] =	wrdreg s0  }
0xad: {  	[dreg:$0x4] =	wrdreg $0x9  }
0xae: {  	_ =	task.clear_ibuf [dreg:s5], $0x5FFFF;
	_ =	strace $0x9000005B  }
0xaf: {  	s26 =	simm.s32 $0x9;
	_ =	strace $0x8000005D  }
0xb0: {  	_ =	swait.ge [sflag:s26], $0x1  }
0xb1: {  	[sflag:s26] =	ssyncadd.s32 $0xFFFFFFFF  }
0xb2: {  	_ =	strace $0x9000005D  }
0xb3: {  	_ =	sfence  }
0xb4: {  	s28 =	sld [smem:$0x0];
	_ =	sdelay $0x1  }
0xb5: {  	s29 =	srdreg.scid  }
0xb6: {  	s30 =	sshll.u32 s29, $0xD;
	s31 =	sshrl.u32 s29, $0x2  }
0xb7: {  	s2 =	sand.u32 $0x4000, s30;
	s1 =	sand.u32 $0x1, s29;
	s0 =	sadd.s32 s31, s28  }
0xb8: {  	s1 =	sor.u32 s2, s1;
	s0 =	sshll.u32 s0, $0x11  }
0xb9: {  	s0 =	sor.u32 s0, s1  }
0xba: {  	s0 =	sadd.s32 $0x8F2B, s0  }
0xbb: {  	[sflag:s0] =	ssyncadd.remote.s32 $0x1  }
0xbc: {  	_ =	sfence.sel $0xFFFF  }
0xbd: {  	[dreg:$0x0] =	wrdreg $0xFFFFFFFF;
	(pc) =	sbr.abs _section_cstart, $3  }
0xbe: {  	[dreg:$0x1] =	wrdreg $0xFFFFFFFF  }
0xbf: {  	_ =	task.clear_ibuf [dreg:s5], $0x2FFFF;
	_ =	strace $0x9FFFFFFF  }
0xc0: {  	(tm) =	ssettm $0x7FFFFFFF  }
0xc1: {  	_ =	shalt  }
tec
execute0_lowered:
.L_overlay_start_1:
0x0: {  	(tag) =	ssettag $0x1  }
0x1: {  	s0 =	stileid.u32  }
0x2: {  	s1 =	smin.u32 s0, $0x9  }
0x3: {  	s1 =	sadd.s32 s0, s1  }
0x4: {  	s2 =	simm.s32 $0xA0;
	p0 =	slt.u32 s0, $0x9;
	s1 =	smul.u32 $0x50, s1  }
0x5: {  	s2 =	simm.s32 @!p0 $0x50  }
0x6: {  	s2 =	sadd.s32 s2, s1  }
0x7: {  	s3 =	smin.u32 s2, $0x7D0  }
0x8: {  	s7 =	ssub.s32 s3, s1  }
0x9: {  	p0 =	sgt.s32 s7, $0x0  }
0xa: {  	s7 =	simm.s32 @!p0 $0x0  }
0xb: {  	s4 =	rddreg [dreg:$0x0];
	s31 =	smul.u32 $0xCCCD, s7  }
0xc: {  	s5 =	rddreg [dreg:$0x1]  }
0xd: {  	s6 =	simm.s32 $0x1;
	s10 =	simm.s32 $0x3;
	s8 =	sshrl.u32 s31, $0x16  }
0xe: {  	s13 =	simm.s32 $0x0;
	s12 =	simm.s32 $0x0;
	s9 =	smul.u32 $0x50, s8  }
.Ltmp0:
0xf: {  	s11 =	smov.u32 s1;
	s2 =	rddreg [dreg:$0x2];
	(pc) =	sbr.rel .LBB2_1-.Ltmp0, $4  }
0x10: {  	_ =	strace $0x8000005C;
	p0 =	sne.s32 s7, s9;
	s9 =	simm.s32 $0x1  }
0x11: {  	[sflag:s6] =	ssyncpa.u1 $0x0;
	s7 =	simm.s32 $0x2;
	s9 =	simm.s32 @!p0 $0x0  }
0x12: {  	[sflag:s7] =	ssyncpa.u1 $0x0;
	p0 =	por $0x0, $0x0;
	s8 =	sadd.s32 s8, s9  }
0x13: {  	v0 =	vimm.s32 $0x0;
	vm0 =	vmmov $0xff;
	vm1 =	vcmask $0x3F20;
	s9 =	sadd.s32 $0x7E00, s4;
	[sflag:s10] =	ssyncpa.u1 $0x0;
	s10 =	sadd.s32 $0x1, s8  }
.LBB2_6:
0x14: {  	[hbm:s17] =	stream.linear.scatter [tilespmem:s14], [sflag:$0x3], $0x400, $0x38;
	[tilespmem:$0x50A0] =	vst v63  }
.LBB2_7:
0x15: {  	s13 =	sadd.s32 $0x50, s11  }
0x16: {  	s15 =	smov.u32 s1;
	p2 =	slt.s32 s13, s3  }
0x17: {  	s15 =	smov.u32 @p2 s13;
	p2 =	sne.s32 s12, s10  }
.Ltmp1:
0x18: {  	p1 =	slt.u32 s12, $0x2;
	(pc) =	sbr.rel @!p2 .LBB2_8-.Ltmp1, $4  }
0x19: {  	s14 =	simm.s32 @!p1 $0x3  }
0x1a: {  	s16 =	sadd.s32 $0x1, s12;
	_ =	swait.ge @!p1 [sflag:s14], $0x2800  }
0x1b: {  	p0 =	por !p0, !p0;
	s13 =	smov.u32 s11;
	[sflag:s14] =	ssyncset.done @!p1 $0x0  }
0x1c: {  	s12 =	smov.u32 s16;
	s11 =	smov.u32 s15;
	[sflag:s14] =	ssyncadd.s32 @!p1 $0xFFFFD800  }
.LBB2_1:
0x1d: {  	p1 =	sge.u32 s12, s8  }
0x1e: {  	s14 =	sxor.u32 @!p1 $0xFFFFFFFF, s12  }
0x1f: {  	s14 =	sand.u32 @!p1 $0x1, s14  }
0x20: {  	s14 =	smul.u32 @!p1 $0x140, s14  }
0x21: {  	s31 =	sadd.s32 $0xFFFFFFFF, s12;
	s15 =	sshrl.u32 @!p1 s11, $0x3  }
0x22: {  	s16 =	sand.u32 @!p1 $0x7, s11;
	s15 =	sadd.s32 @!p1 s5, s15;
	s14 =	sshrl.u32 @!p1 s14, $0x2  }
0x23: {  	[tilespmem:s14], [sflag:$0x2] =	stream.linear.gather @!p1 [hbm4b:s15+s16], $0x50, $0x38;
	[tilespmem:$0x50A0] =	vst v63  }
0x24: {  	p1 =	sge.u32 s31, s8  }
.Ltmp2:
0x25: {  	_ = 	snop;
	(pc) =	sbr.rel @p1 .LBB2_7-.Ltmp2, $1  }
0x26: {  	_ =	sdelay $0x3  }
0x27: {  	s14 =	simm.s32 $0x1  }
0x28: {  	s14 =	simm.s32 @!p0 $0x0  }
0x29: {  	s15 =	smul.u32 $0x140, s14  }
0x2a: {  	_ =	swait.ge [sflag:s7], $0x50  }
0x2b: {  	[sflag:s7] =	ssyncset.done $0x0;
	s16 =	sshrl.u32 s15, $0x2  }
0x2c: {  	[sflag:s7] =	ssyncadd.s32 $0xFFFFFFB0;
	s15 =	sadd.s32 $0x0, s16  }
0x2d: {  	v1 =	vld.msk [tilespmem:s15+$0x0 ss:$0x1], $0xffff;
	_ =	sdelay $0x4  }
0x2e: {  	v2 =	vand.u32 $0x1, v1;
	v3 =	vshll.u32 v1, $0x6  }
0x2f: {  	vm2 =	veq.s32 v1, $0x80000000;
	vm3 =	veq.s32 v2, $0x1;
	v1 =	vand.u32 $0x1FF80, v3  }
0x30: {  	v2 =	vsel vm3, $0x1F400, v0;
	v1 =	vsel vm2, $0xFFFFFF80, v1  }
0x31: {  	v2 =	vsel vm2, $0xFFFE0C00, v2;
	v3 =	vand.u32 $0xFFFFFC00, v1  }
0x32: {  	v1 =	vand.u32 $0x380, v1;
	v2 =	vadd.s32 v2, v3  }
0x33: {  	v1 =	vor.u32 v1, v2  }
0x34: {  	v1 =	vshrl.u32 v1, $0x3  }
0x35: {  	s14 =	smul.u32 $0xA000, s14;
	_ =	sdelay $0x1  }
0x36: {  	s14 =	sshrl.u32 s14, $0x2  }
0x37: {  	s14 =	sor.u32 $0xA0, s14  }
0x38: {  	[tilespmem:s14], [sflag:$0x1] =	stream.indirect_vreg.gather [hbm:s4], $0x80, v1, vm0, $0x38;
	[tilespmem:$0x50A0] =	vst v63  }
0x39: {  	s17 =	sadd.s32 $0x10, s16;
	s15 =	sadd.s32 $0x400, s14  }
0x3a: {  	[tilespmem:s15], [sflag:$0x1] =	stream.indirect_vreg.gather [hbm:s4], $0x80, v1, vm1, $0x38;
	[tilespmem:$0x50A0] =	vst v63  }
0x3b: {  	s18 =	simm.s32 $0x80;
	v1 =	vld.msk [tilespmem:s17+$0x0 ss:$0x1], $0xffff;
	s17 =	smov.u32 s14  }
.LBB2_3:
0x3c: {  	p1 =	sne.s32 s18, $0x100;
	_ =	sdelay $0x4  }
0x3d: {  	v2 =	vand.u32 $0x1, v1;
	v3 =	vshll.u32 v1, $0x6  }
0x3e: {  	vm2 =	veq.s32 v1, $0x80000000;
	vm3 =	veq.s32 v2, $0x1;
	v1 =	vand.u32 $0x1FF80, v3  }
0x3f: {  	v2 =	vsel vm3, $0x1F400, v0;
	v1 =	vsel vm2, $0xFFFFFF80, v1  }
0x40: {  	v2 =	vsel vm2, $0xFFFE0C00, v2;
	v3 =	vand.u32 $0xFFFFFC00, v1  }
0x41: {  	v1 =	vand.u32 $0x380, v1;
	v2 =	vadd.s32 v2, v3  }
0x42: {  	v1 =	vor.u32 v1, v2  }
0x43: {  	v1 =	vshrl.u32 v1, $0x3;
	_ =	sdelay $0x3  }
.Ltmp3:
0x44: {  	s19 =	sshra.s32 s18, $0x2;
	s17 =	sadd.s32 $0x800, s17;
	(pc) =	sbr.rel @p1 .LBB2_3-.Ltmp3, $4  }
0x45: {  	[tilespmem:s17], [sflag:$0x1] =	stream.indirect_vreg.gather [hbm:s4], $0x80, v1, vm0, $0x38;
	[tilespmem:$0x50A0] =	vst v63  }
0x46: {  	s19 =	sadd.s32 s19, s16;
	s20 =	sadd.s32 $0x400, s17  }
0x47: {  	[tilespmem:s20], [sflag:$0x1] =	stream.indirect_vreg.gather [hbm:s4], $0x80, v1, vm1, $0x38;
	[tilespmem:$0x50A0] =	vst v63  }
0x48: {  	s18 =	sadd.s32 $0x40, s18;
	v1 =	vld.msk [tilespmem:s19+$0x0 ss:$0x1], $0xffff  }
0x49: {  	_ =	sdelay $0x3  }
0x4a: {  	v2 =	vand.u32 $0x1, v1;
	v3 =	vshll.u32 v1, $0x6  }
0x4b: {  	vm2 =	veq.s32 v1, $0x80000000;
	vm3 =	veq.s32 v2, $0x1;
	v1 =	vand.u32 $0x1FF80, v3  }
0x4c: {  	v2 =	vsel vm3, $0x1F400, v0;
	v1 =	vsel vm2, $0xFFFFFF80, v1  }
0x4d: {  	v2 =	vsel vm2, $0xFFFE0C00, v2;
	v3 =	vand.u32 $0xFFFFFC00, v1  }
0x4e: {  	v1 =	vand.u32 $0x380, v1;
	v2 =	vadd.s32 v2, v3  }
0x4f: {  	v1 =	vor.u32 v1, v2  }
0x50: {  	v1 =	vshrl.u32 v1, $0x3;
	_ =	sdelay $0x3  }
0x51: {  	s16 =	sadd.s32 $0x800, s17  }
0x52: {  	[tilespmem:s16], [sflag:$0x1] =	stream.indirect_vreg.gather [hbm:s4], $0x80, v1, vm0, $0x38;
	[tilespmem:$0x50A0] =	vst v63  }
0x53: {  	s16 =	sadd.s32 $0x400, s16  }
0x54: {  	[tilespmem:s16], [sflag:$0x1] =	stream.indirect_vreg.gather [hbm:s4], $0x80, v1, vm1, $0x38;
	[tilespmem:$0x50A0] =	vst v63  }
0x55: {  	s13 =	sshll.u32 s13, $0x4;
	_ =	swait.ge [sflag:s6], $0x2800  }
0x56: {  	s13 =	sadd.s32 s13, s9;
	[sflag:s6] =	ssyncset.done $0x0  }
0x57: {  	s17 =	sadd.s32 $0x0, s13;
	s16 =	simm.s32 $0x80;
	[sflag:s6] =	ssyncadd.s32 $0xFFFFD800  }
.LBB2_5:
0x58: {  	[hbm:s17] =	stream.linear.scatter [tilespmem:s14], [sflag:$0x3], $0x400, $0x38;
	[tilespmem:$0x50A0] =	vst v63  }
0x59: {  	s17 =	smov.u32 s16;
	s14 =	smov.u32 s15;
	p1 =	sne.s32 s16, $0x480  }
.Ltmp4:
0x5a: {  	s16 =	sadd.s32 $0x80, s16;
	(pc) =	sbr.rel @p1 .LBB2_5-.Ltmp4, $2  }
0x5b: {  	_ =	sdelay $0x2  }
0x5c: {  	s15 =	sadd.s32 $0x400, s15;
	s17 =	sadd.s32 s17, s13  }
.Ltmp5:
0x5d: {  	_ = 	snop;
	(pc) =	sbr.rel .LBB2_6-.Ltmp5, $1  }
0x5e: {  	_ =	sdelay $0x3  }
.LBB2_8:
0x5f: {  	_ =	sfence.sel $0x180000  }
0x60: {  	s1 =	simm.s32 $0x2;
	[bflag:$0x0] =	sbarrier.arrive $0xFFFF  }
0x61: {  	s30 =	simm.s32 $0x3;
	[sflag:s1] =	ssyncpa.u1 $0x1  }
0x62: {  	s31 =	simm.s32 $0x1;
	[sflag:s30] =	ssyncpa.u1 $0x1  }
0x63: {  	[sflag:s31] =	ssyncpa.u1 $0x1  }
0x64: {  	p0 =	sne.s32 s0, $0x0;
	_ =	strace $0x9000005C  }
0x65: {  	s0 =	sadd.s32 @!p0 $0x100000, s2;
	[bflag:$0x2] =	sbarrier.arrive $0xFFFF  }
0x66: {  	[sflag:s0] =	ssyncadd.tile.s32 @!p0 $0x1;
	_ =	shalt  }
.Lfunc_end2:
_tile_overlayer_lowered:
.L_overlay_start_2:
0x67: {  	(tag) =	ssettag $0x2  }
0x68: {  	s0 =	rddreg [dreg:$0x0];
	s2 =	stileid.u32  }
0x69: {  	s1 =	rddreg [dreg:$0x1];
	p0 =	sne.s32 s2, $0x0  }
0x6a: {  	s3 =	rddreg [dreg:$0x2];
	[bflag:$0x3] =	sbarrier.arrive $0xFFFF;
	s2 =	simm.s32 @!p0 $0x1C01  }
0x6b: {  	[timem:s3], [sflag:s2] =	dma.local @!p0 [hbm:s0], s1  }
0x6c: {  	s0 =	simm.s32 @!p0 $0x1  }
0x6d: {  	_ =	swait.ge @!p0 [sflag:s0], s1  }
0x6e: {  	s1 =	ssub.s32 @!p0 $0x0, s1;
	[sflag:s0] =	ssyncset.done @!p0 $0x0  }
0x6f: {  	[sflag:s0] =	ssyncadd.s32 @!p0 s1  }
0x70: {  	[bflag:$0x3] =	sbarrier.arrive $0xFFFF  }
0x71: {  	_ =	shalt  }

// kernel: gather_offload_async_start.7
scs
__scs_entry_jumppad:
0x0: {  	(pc) =	sbr.rel $0x88, $3  }
0x1: {  	(tag) =	ssettag $0x0;
	lr =	simm.s32 $0x1  }
0x2: {  	[smem:$0x3F9C] =	sst lr;
	_ =	strace $0xD0000000  }
0x3: {  	_ = 	snop  }
0x4: {  	_ = 	snop  }
0x5: {  	_ = 	snop  }
0x6: {  	_ = 	snop  }
0x7: {  	_ = 	snop  }
__scs_overlays_trampoline_lowered:
0x8: {  	[smem:$0x3FAB] =	sst s0  }
0x9: {  	[smem:$0x3FAC] =	sst s1  }
0xa: {  	[smem:$0x3FAD] =	sst s2  }
0xb: {  	[smem:$0x3FAE] =	sst s3  }
0xc: {  	[smem:$0x3FAF] =	sst s4  }
0xd: {  	[smem:$0x3FB0] =	sst s5  }
0xe: {  	[smem:$0x3FB1] =	sst s6  }
0xf: {  	[smem:$0x3FB2] =	sst s7  }
0x10: {  	[smem:$0x3FB3] =	sst s8  }
0x11: {  	[smem:$0x3FB4] =	sst s9;
	s0 =	simm.s32 @!p0 $0x0  }
0x12: {  	s1 =	sld [smem:$0x3F9A];
	s0 =	simm.s32 @p0 $0x1  }
0x13: {  	[smem:$0x3FB5] =	sst s0;
	s0 =	simm.s32 @!p1 $0x0  }
0x14: {  	s2 =	sld [smem:$0x3F99];
	s0 =	simm.s32 @p1 $0x1  }
0x15: {  	[smem:$0x3FB6] =	sst s0;
	s0 =	simm.s32 @!p2 $0x0  }
0x16: {  	s3 =	sld [smem:$0x3FDB];
	s0 =	simm.s32 @p2 $0x1  }
0x17: {  	s4 =	simm.s32 $0x1BF5;
	[smem:$0x3FB8] =	sst s0  }
0x18: {  	s0 =	sld [smem:$0x3F9B];
	_ =	swait.ge [sflag:s4], $0x0  }
0x19: {  	s7 =	sld [smem:$0x3F9C]  }
0x1a: {  	s8 =	sadd.s32 $0xFFFFE003, lr  }
0x1b: {  	s9 =	sadd.s32 $0xFFFFFEF7, lr;
	s5 =	simm.s32 $0xFFFFFFFF;
	p2 =	slt.u32 s8, $0xFFFFF086  }
0x1c: {  	p1 =	slt.u32 s9, $0xF7A;
	s5 =	simm.s32 @!p2 $0x0  }
0x1d: {  	s5 =	simm.s32 @p1 $0x1;
	p0 =	seq.s32 s7, s2  }
0x1e: {  	s7 =	smul.u32 @!p0 $0xF7A, s2;
	p2 =	seq.s32 @!p0 s5, $0x0  }
0x1f: {  	s9 =	smul.u32 $0xF7A, s1;
	s8 =	simm.s32 @!p0 $0x1BF5;
	p2 =	por !p2, p0  }
0x20: {  	[sflag:s8] =	ssyncset.s32 @!p0 $0xFFFFF086;
	s6 =	sadd.s32 @!p0 s3, s7;
	s7 =	simm.s32 @!p0 $0x108  }
0x21: {  	s3 =	sadd.s32 s3, s9;
	s6 =	sadd.s32 @!p0 $0x88, s6;
	s7 =	simm.s32 @p2 $0x1082  }
0x22: {  	[simem:s7], [sflag:s8] =	dma.local @!p0 [hbm:s6], $0xF7A  }
0x23: {  	s9 =	sor.u32 $0xD0000000, s2;
	s6 =	simm.s32 $0x108;
	_ =	swait.ge @!p0 [sflag:s8], $0x0  }
0x24: {  	s3 =	sadd.s32 $0x88, s3;
	s6 =	simm.s32 @!p1 $0x1082;
	[sflag:s4] =	ssyncset.s32 $0xFFFFF086  }
0x25: {  	[simem:s6], [sflag:s4] =	dma.local [hbm:s3], $0xF7A  }
0x26: {  	[smem:$0x3F9C] =	sst s1;
	(tag) =	ssettag s2;
	_ =	strace s9  }
0x27: {  	s1 =	sld [smem:$0x3FAC]  }
0x28: {  	s2 =	sld [smem:$0x3FAD]  }
0x29: {  	s4 =	sld [smem:$0x3FAF]  }
0x2a: {  	p0 =	seq.s32 s5, $0x0;
	s5 =	sld [smem:$0x3FB0]  }
0x2b: {  	s6 =	sld [smem:$0x3FB1]  }
0x2c: {  	s7 =	sld [smem:$0x3FB2]  }
0x2d: {  	s3 =	simm.s32 $0x108;
	s8 =	sld [smem:$0x3FB3]  }
0x2e: {  	s3 =	simm.s32 @!p0 $0x1082;
	s9 =	sld [smem:$0x3FB4]  }
0x2f: {  	lr =	sadd.s32 s0, s3;
	s0 =	sld [smem:$0x3FAB]  }
0x30: {  	s3 =	sld [smem:$0x3FAE]  }
0x31: {  	[smem:$0x3FB7] =	sst s10  }
0x32: {  	s10 =	sld [smem:$0x3FB5];
	_ =	sdelay $0x3  }
0x33: {  	p0 =	seq.s32 s10, $0x1;
	s10 =	sld [smem:$0x3FB7];
	_ =	sdelay $0x3  }
0x34: {  	[smem:$0x3FB7] =	sst s10  }
0x35: {  	s10 =	sld [smem:$0x3FB6];
	_ =	sdelay $0x3  }
0x36: {  	p1 =	seq.s32 s10, $0x1;
	s10 =	sld [smem:$0x3FB7];
	_ =	sdelay $0x3  }
0x37: {  	[smem:$0x3FB7] =	sst s10  }
0x38: {  	s10 =	sld [smem:$0x3FB8]  }
0x39: {  	_ = 	snop;
	(pc) =	sbr.ind lr, $3  }
0x3a: {  	_ = 	snop  }
0x3b: {  	_ = 	snop  }
0x3c: {  	p2 =	seq.s32 s10, $0x1;
	s10 =	sld [smem:$0x3FB7]  }
0x3d: {  	_ =	shalt  }
0x3e: {  	_ =	shalt  }
0x3f: {  	_ =	shalt  }
0x40: {  	_ =	shalt  }
0x41: {  	_ =	shalt  }
0x42: {  	_ =	shalt  }
0x43: {  	_ =	shalt  }
0x44: {  	_ =	shalt  }
0x45: {  	_ =	shalt  }
0x46: {  	_ =	shalt  }
0x47: {  	_ =	shalt  }
0x48: {  	_ =	shalt  }
0x49: {  	_ =	shalt  }
0x4a: {  	_ =	shalt  }
0x4b: {  	_ =	shalt  }
0x4c: {  	_ =	shalt  }
0x4d: {  	_ =	shalt  }
0x4e: {  	_ =	shalt  }
0x4f: {  	_ =	shalt  }
0x50: {  	_ =	shalt  }
0x51: {  	_ =	shalt  }
0x52: {  	_ =	shalt  }
0x53: {  	_ =	shalt  }
0x54: {  	_ =	shalt  }
0x55: {  	_ =	shalt  }
0x56: {  	_ =	shalt  }
0x57: {  	_ =	shalt  }
0x58: {  	_ =	shalt  }
0x59: {  	_ =	shalt  }
0x5a: {  	_ =	shalt  }
0x5b: {  	_ =	shalt  }
0x5c: {  	_ =	shalt  }
0x5d: {  	_ =	shalt  }
0x5e: {  	_ =	shalt  }
0x5f: {  	_ =	shalt  }
0x60: {  	_ =	shalt  }
0x61: {  	_ =	shalt  }
0x62: {  	_ =	shalt  }
0x63: {  	_ =	shalt  }
0x64: {  	_ =	shalt  }
0x65: {  	_ =	shalt  }
0x66: {  	_ =	shalt  }
0x67: {  	_ =	shalt  }
0x68: {  	_ =	shalt  }
0x69: {  	_ =	shalt  }
0x6a: {  	_ =	shalt  }
0x6b: {  	_ =	shalt  }
0x6c: {  	_ =	shalt  }
0x6d: {  	_ =	shalt  }
0x6e: {  	_ =	shalt  }
0x6f: {  	_ =	shalt  }
0x70: {  	_ =	shalt  }
0x71: {  	_ =	shalt  }
0x72: {  	_ =	shalt  }
0x73: {  	_ =	shalt  }
0x74: {  	_ =	shalt  }
0x75: {  	_ =	shalt  }
0x76: {  	_ =	shalt  }
0x77: {  	_ =	shalt  }
0x78: {  	_ =	shalt  }
0x79: {  	_ =	shalt  }
0x7a: {  	_ =	shalt  }
0x7b: {  	_ =	shalt  }
0x7c: {  	_ =	shalt  }
0x7d: {  	_ =	shalt  }
0x7e: {  	_ =	shalt  }
0x7f: {  	_ =	shalt  }
0x80: {  	_ =	shalt  }
0x81: {  	_ =	shalt  }
0x82: {  	_ =	shalt  }
0x83: {  	_ =	shalt  }
0x84: {  	_ =	shalt  }
0x85: {  	_ =	shalt  }
0x86: {  	_ =	shalt  }
0x87: {  	_ =	shalt  }
.Lfunc_end0:
.L_simem_size_0:
called_computation.7_lowered:
.L_overlay_start_0:
0x88: {  	s0 =	sld [smem:$0x3FD9]  }
0x89: {  	s1 =	sld [smem:$0x3FFE];
	_ =	sdelay $0x3  }
0x8a: {  	s0 =	sadd.s32 s1, s0  }
0x8b: {  	[smem:$0x3FC3] =	sst s0  }
0x8c: {  	_ = 	snop  }
0x8d: {  	s0 =	sld [smem:$0x3FD0];
	(tm) =	ssettm $0x1  }
0x8e: {  	s16 =	sld [smem:$0x3FFB];
	_ =	sdelay $0x3  }
0x8f: {  	_ =	strace s16  }
0x90: {  	s1 =	sld [smem:$0x3FFC];
	_ =	sdelay $0x3  }
0x91: {  	_ =	strace s1  }
0x92: {  	s1 =	sld [smem:$0x3FFD];
	_ =	sdelay $0x3  }
0x93: {  	_ =	strace s1  }
0x94: {  	_ =	strace $0x8FFFFFFF  }
0x95: {  	s17 =	sld [smem:$0x3FDB];
	_ =	sdelay $0x1  }
0x96: {  	s2 =	simm.s32 $_scs_section_size  }
0x97: {  	s3 =	simm.s32 $_size__tile_overlayer_lowered;
	s4 =	simm.s32 $_tile_overlayer_lowered  }
0x98: {  	s20 =	simm.s32 $0x1BFF;
	s19 =	sshll.u32 s4, $0x1;
	s1 =	sadd.s32 s2, s17  }
0x99: {  	s5 =	simm.s32 $0x0;
	s18 =	sshll.u32 s3, $0x1;
	s3 =	sadd.s32 s19, s1  }
0x9a: {  	[timem:s5], [sflag:s20] =	dma.local [hbm:s3], s18  }
0x9b: {  	_ =	swait.ge [sflag:s20], s18  }
0x9c: {  	s2 =	ssub.s32 $0x0, s18;
	[sflag:s20] =	ssyncset.done $0x0  }
0x9d: {  	[sflag:s20] =	ssyncadd.s32 s2;
	_ =	sdelay $0x1  }
0x9e: {  	s21 =	simm.s32 $0x1B8B  }
0x9f: {  	_ =	swait.ge [sflag:s21], $0x1  }
0xa0: {  	[sflag:s21] =	ssyncset.done $0x0  }
0xa1: {  	s23 =	simm.s32 $0x1B8E;
	s22 =	sld [smem:$0x3FFE];
	[sflag:s21] =	ssyncadd.s32 $0xFFFFFFFF  }
0xa2: {  	s24 =	simm.s32 $execute0_lowered;
	[smem:$0x3FD2] =	sst s23  }
0xa3: {  	s3 =	sshll.u32 s24, $0x1;
	_ =	strace $0x80000058;
	[dreg:$0x1] =	wrdreg $0xFFFFFFFF  }
0xa4: {  	s25 =	simm.s32 $_size_execute0_lowered;
	s1 =	sadd.s32 s1, s3;
	[dreg:$0x0] =	wrdreg $0x0  }
0xa5: {  	s3 =	sshll.u32 s25, $0x1;
	[dreg:$0x2] =	wrdreg s1  }
0xa6: {  	[dreg:$0x3] =	wrdreg s3  }
0xa7: {  	[dreg:$0x4] =	wrdreg $0xC0  }
0xa8: {  	_ =	task [dreg:s5], $0x5FFFF  }
0xa9: {  	[dreg:$0x1] =	wrdreg $0xFFFFFFFF  }
0xaa: {  	[dreg:$0x0] =	wrdreg $0x60  }
0xab: {  	[dreg:$0x2] =	wrdreg s22  }
0xac: {  	[dreg:$0x3] =	wrdreg s0  }
0xad: {  	[dreg:$0x4] =	wrdreg $0x9  }
0xae: {  	_ =	task.clear_ibuf [dreg:s5], $0x5FFFF;
	_ =	strace $0x90000058  }
0xaf: {  	s26 =	simm.s32 $0x9;
	_ =	strace $0x8000005A  }
0xb0: {  	_ =	swait.ge [sflag:s26], $0x1  }
0xb1: {  	[sflag:s26] =	ssyncadd.s32 $0xFFFFFFFF  }
0xb2: {  	_ =	strace $0x9000005A  }
0xb3: {  	_ =	sfence  }
0xb4: {  	s28 =	sld [smem:$0x0];
	_ =	sdelay $0x1  }
0xb5: {  	s29 =	srdreg.scid  }
0xb6: {  	s30 =	sshll.u32 s29, $0xD;
	s31 =	sshrl.u32 s29, $0x2  }
0xb7: {  	s2 =	sand.u32 $0x4000, s30;
	s1 =	sand.u32 $0x1, s29;
	s0 =	sadd.s32 s31, s28  }
0xb8: {  	s1 =	sor.u32 s2, s1;
	s0 =	sshll.u32 s0, $0x11  }
0xb9: {  	s0 =	sor.u32 s0, s1  }
0xba: {  	s0 =	sadd.s32 $0x8F2B, s0  }
0xbb: {  	[sflag:s0] =	ssyncadd.remote.s32 $0x1  }
0xbc: {  	_ =	sfence.sel $0xFFFF  }
0xbd: {  	[dreg:$0x0] =	wrdreg $0xFFFFFFFF;
	(pc) =	sbr.abs _section_cstart, $3  }
0xbe: {  	[dreg:$0x1] =	wrdreg $0xFFFFFFFF  }
0xbf: {  	_ =	task.clear_ibuf [dreg:s5], $0x2FFFF;
	_ =	strace $0x9FFFFFFF  }
0xc0: {  	(tm) =	ssettm $0x7FFFFFFF  }
0xc1: {  	_ =	shalt  }
tec
execute0_lowered:
.L_overlay_start_1:
0x0: {  	(tag) =	ssettag $0x1  }
0x1: {  	s8 =	rddreg [dreg:$0x0]  }
0x2: {  	s2 =	rddreg [dreg:$0x1]  }
0x3: {  	s0 =	rddreg [dreg:$0x2]  }
0x4: {  	s1 =	stileid.u32;
	_ =	strace $0x80000059;
	s5 =	simm.s32 $0x1  }
0x5: {  	s6 =	simm.s32 $0x500;
	s9 =	simm.s32 $0x1;
	s10 =	simm.s32 $0x3  }
0x6: {  	s13 =	simm.s32 $0x0;
	s12 =	simm.s32 $0x0;
	s4 =	smul.u32 $0x50, s1  }
0x7: {  	s3 =	sadd.s32 $0x8000, s8;
	p0 =	slt.u32 s1, $0xA;
	[sflag:s5] =	ssyncpa.u1 $0x0  }
.Ltmp0:
0x8: {  	s6 =	simm.s32 @!p0 $0x0;
	s7 =	ssub.s32 $0x7D0, s4;
	(pc) =	sbr.rel .LBB2_1-.Ltmp0, $4  }
0x9: {  	s9 =	simm.s32 @!p0 $0x0;
	p0 =	sne.s32 s7, s6;
	s7 =	simm.s32 $0x1  }
0xa: {  	s8 =	sadd.s32 $0x7E00, s8;
	s6 =	simm.s32 $0x2;
	s7 =	simm.s32 @!p0 $0x0  }
0xb: {  	s11 =	smov.u32 s4;
	[sflag:s6] =	ssyncpa.u1 $0x0;
	s7 =	sadd.s32 s9, s7  }
0xc: {  	vm0 =	vmmov $0xffff;
	[sflag:s10] =	ssyncpa.u1 $0x0;
	s10 =	simm.s32 $0x0;
	s9 =	sadd.s32 $0x1, s7  }
.LBB2_4:
0xd: {  	v5 =	vld.msk [tilespmem:s18+$0x0 ss:$0x1], $0xffff  }
0xe: {  	v6 =	vand.u32 $0x1, v1;
	v7 =	vshrl.u32 v1, $0x1  }
0xf: {  	v3 =	vor.u32 v4, v3;
	vm1 =	veq.s32 v1, $0x80000000;
	v53 =	vand.u32 $0x3FF, v7  }
0x10: {  	v2 =	vor.u32 v2, v3;
	v54 =	vsel vm1, $0xFFFFFFFF, v6;
	v1 =	vsel vm1, $0xFFFFFFFF, v53  }
0x11: {  	v6 =	vshll.u32 v54, $0x7;
	v3 =	vand.u32 $0xFFFFF800, v54;
	v55 =	vand.u32 $0x7F, v1  }
0x12: {  	v1 =	vshll.u32 v1, $0x1;
	v6 =	vand.u32 $0x80, v6;
	v56 =	vshrl.u32 v5, $0x1  }
0x13: {  	v1 =	vand.u32 $0xFFFFFF00, v1;
	vm1 =	veq.s32 v5, $0x80000000;
	v57 =	vand.u32 $0x3FF, v56  }
0x14: {  	v1 =	vadd.s32 v3, v1;
	v5 =	vand.u32 $0x1, v5;
	v3 =	vsel vm1, $0xFFFFFFFF, v57  }
0x15: {  	v1 =	vor.u32 v6, v1;
	v5 =	vsel vm1, $0xFFFFFFFF, v5;
	v58 =	vshll.u32 v3, $0x1  }
0x16: {  	v59 =	vshll.u32 v5, $0x7;
	v5 =	vand.u32 $0xFFFFF800, v5;
	v6 =	vand.u32 $0xFFFFFF00, v58  }
0x17: {  	v1 =	vor.u32 v55, v1;
	v61 =	vand.u32 $0x80, v59;
	v60 =	vadd.s32 v5, v6  }
0x18: {  	[tilespmem:s16], [sflag:$0x1] =	stream.indirect_vreg.gather [hbm4b:s3+s10], $0x1, v0, vm0, $0x4038;
	v62 =	vand.u32 $0x7F, v3;
	v63 =	vor.u32 v61, v60;
	[tilespmem:$0x140] =	vst v63  }
0x19: {  	(ifvalue) =	ssetifvalue $0x7FFFFFFF;
	v0 =	vor.u32 v62, v63  }
0x1a: {  	[tilespmem:s15], [sflag:$0x1] =	stream.indirect_vreg.gather [hbm4b:s3+s10], $0x1, v2, vm0, $0x4038;
	[tilespmem:$0x140] =	vst v63  }
0x1b: {  	s29 =	sadd.s32 $0x10, s15;
	(ifvalue) =	ssetifvalue $0x7FFFFFFF  }
0x1c: {  	[tilespmem:s29], [sflag:$0x1] =	stream.indirect_vreg.gather [hbm4b:s3+s10], $0x1, v1, vm0, $0x4038;
	[tilespmem:$0x140] =	vst v63  }
0x1d: {  	s15 =	sadd.s32 $0x10, s29;
	(ifvalue) =	ssetifvalue $0x7FFFFFFF  }
0x1e: {  	[tilespmem:s15], [sflag:$0x1] =	stream.indirect_vreg.gather [hbm4b:s3+s10], $0x1, v0, vm0, $0x4038;
	[tilespmem:$0x140] =	vst v63  }
0x1f: {  	_ =	swait.ge [sflag:s5], $0x50  }
0x20: {  	s30 =	sshrl.u32 s13, $0x3;
	[sflag:s5] =	ssyncset.done $0x0  }
0x21: {  	s31 =	sand.u32 $0x7, s13;
	s15 =	sadd.s32 s8, s30;
	[sflag:s5] =	ssyncadd.s32 $0xFFFFFFB0  }
0x22: {  	[hbm4b:s15+s31] =	stream.linear.scatter [tilespmem:s14], [sflag:$0x3], $0x50, $0x38;
	[tilespmem:$0x140] =	vst v63  }
.LBB2_5:
0x23: {  	s15 =	sadd.s32 $0x500, s11  }
0x24: {  	p1 =	sgt.s32 s15, $0x7CF  }
0x25: {  	s15 =	smov.u32 @p1 s4;
	p1 =	sne.s32 s12, s9  }
.Ltmp1:
0x26: {  	p0 =	slt.u32 s12, $0x2;
	(pc) =	sbr.rel @!p1 .LBB2_6-.Ltmp1, $4  }
0x27: {  	s14 =	simm.s32 @!p0 $0x3  }
0x28: {  	_ =	swait.ge @!p0 [sflag:s14], $0x50  }
0x29: {  	s16 =	sadd.s32 $0x1, s12;
	s13 =	smov.u32 s11;
	[sflag:s14] =	ssyncset.done @!p0 $0x0  }
0x2a: {  	s12 =	smov.u32 s16;
	s11 =	smov.u32 s15;
	[sflag:s14] =	ssyncadd.s32 @!p0 $0xFFFFFFB0  }
.LBB2_1:
0x2b: {  	p0 =	sge.u32 s12, s7  }
0x2c: {  	s14 =	sxor.u32 @!p0 $0x1, s12  }
0x2d: {  	s14 =	smul.u32 @!p0 $0x140, s14  }
0x2e: {  	s31 =	sadd.s32 $0xFFFFFFFF, s12;
	s15 =	sshrl.u32 @!p0 s11, $0x3  }
0x2f: {  	s16 =	sand.u32 @!p0 $0x7, s11;
	s15 =	sadd.s32 @!p0 s2, s15;
	s14 =	sshra.s32 @!p0 s14, $0x2  }
0x30: {  	[tilespmem:s14], [sflag:$0x2] =	stream.linear.gather @!p0 [hbm4b:s15+s16], $0x50, $0x38;
	[tilespmem:$0x140] =	vst v63  }
0x31: {  	p0 =	sge.u32 s31, s7  }
.Ltmp2:
0x32: {  	_ = 	snop;
	(pc) =	sbr.rel @p0 .LBB2_5-.Ltmp2, $1  }
0x33: {  	_ =	sdelay $0x3  }
0x34: {  	s14 =	sand.u32 $0x1, s12  }
0x35: {  	_ =	swait.ge [sflag:s6], $0x50;
	p0 =	seq.s32 s14, $0x1;
	s14 =	simm.s32 $0x50  }
0x36: {  	[sflag:s6] =	ssyncset.done $0x0;
	s14 =	simm.s32 @!p0 $0x0  }
0x37: {  	[sflag:s6] =	ssyncadd.s32 $0xFFFFFFB0;
	(ifvalue) =	ssetifvalue $0x7FFFFFFF;
	v0 =	vld.msk [tilespmem:s14+$0x0 ss:$0x1], $0xffff;
	_ =	sdelay $0x4  }
0x38: {  	s15 =	sadd.s32 $0x10, s14;
	v2 =	vshrl.u32 v0, $0x1  }
0x39: {  	v1 =	vld.msk [tilespmem:s15+$0x0 ss:$0x1], $0xffff;
	vm1 =	veq.s32 v0, $0x80000000;
	v2 =	vand.u32 $0x3FF, v2  }
0x3a: {  	v0 =	vand.u32 $0x1, v0;
	v2 =	vsel vm1, $0xFFFFFFFF, v2  }
0x3b: {  	v0 =	vsel vm1, $0xFFFFFFFF, v0;
	v3 =	vshll.u32 v2, $0x1  }
0x3c: {  	v4 =	vand.u32 $0xFFFFF800, v0;
	v0 =	vshll.u32 v0, $0x7;
	v3 =	vand.u32 $0xFFFFFF00, v3  }
0x3d: {  	v0 =	vand.u32 $0x80, v0;
	v3 =	vadd.s32 v4, v3  }
0x3e: {  	v2 =	vand.u32 $0x7F, v2;
	v4 =	vshrl.u32 v1, $0x1;
	v0 =	vor.u32 v0, v3  }
0x3f: {  	vm1 =	veq.s32 v1, $0x80000000;
	v4 =	vand.u32 $0x3FF, v4;
	v0 =	vor.u32 v2, v0  }
0x40: {  	s15 =	sadd.s32 $0x10, s15;
	v1 =	vand.u32 $0x1, v1;
	v3 =	vsel vm1, $0xFFFFFFFF, v4  }
0x41: {  	s14 =	sor.u32 $0xA0, s14;
	v2 =	vsel vm1, $0xFFFFFFFF, v1;
	v1 =	vld.msk [tilespmem:s15+$0x0 ss:$0x1], $0xffff;
	v4 =	vshll.u32 v3, $0x1  }
0x42: {  	s17 =	simm.s32 $0x30;
	s16 =	smov.u32 s14;
	v5 =	vshll.u32 v2, $0x7;
	v6 =	vand.u32 $0xFFFFF800, v2;
	v4 =	vand.u32 $0xFFFFFF00, v4  }
0x43: {  	s18 =	sadd.s32 $0x10, s15;
	(ifvalue) =	ssetifvalue $0x7FFFFFFF;
	s15 =	sadd.s32 $0x10, s14;
	v2 =	vand.u32 $0x7F, v3;
	v3 =	vadd.s32 v6, v4;
	v4 =	vand.u32 $0x80, v5  }
.LBB2_3:
0x44: {  	[tilespmem:s16], [sflag:$0x1] =	stream.indirect_vreg.gather [hbm4b:s3+s10], $0x1, v0, vm0, $0x4038;
	[tilespmem:$0x140] =	vst v63  }
0x45: {  	s17 =	sadd.s32 $0x10, s17  }
0x46: {  	v5 =	vand.u32 $0x1, v1;
	v6 =	vshrl.u32 v1, $0x1;
	v3 =	vor.u32 v4, v3;
	v0 =	vmovc v1;
	v1 =	vld.msk [tilespmem:s18+$0x0 ss:$0x1], $0xffff;
	p0 =	slt.u32 s17, $0x40  }
.Ltmp3:
0x47: {  	s16 =	smov.u32 s15;
	vm1 =	veq.s32 v0, $0x80000000;
	v4 =	vand.u32 $0x3FF, v6;
	v0 =	vor.u32 v2, v3;
	(pc) =	sbr.rel @p0 .LBB2_3-.Ltmp3, $4  }
0x48: {  	v3 =	vsel vm1, $0xFFFFFFFF, v5;
	v4 =	vsel vm1, $0xFFFFFFFF, v4  }
0x49: {  	v2 =	vand.u32 $0x7F, v4;
	v4 =	vshll.u32 v4, $0x1;
	v5 =	vshll.u32 v3, $0x7  }
0x4a: {  	v3 =	vand.u32 $0xFFFFF800, v3;
	v4 =	vand.u32 $0xFFFFFF00, v4  }
0x4b: {  	s18 =	sadd.s32 $0x10, s18;
	s15 =	sadd.s32 $0x10, s15;
	v3 =	vadd.s32 v3, v4;
	v4 =	vand.u32 $0x80, v5;
	(ifvalue) =	ssetifvalue $0x7FFFFFFF  }
.Ltmp4:
0x4c: {  	_ = 	snop;
	(pc) =	sbr.rel .LBB2_4-.Ltmp4, $1  }
0x4d: {  	_ =	sdelay $0x3  }
.LBB2_6:
0x4e: {  	_ =	sfence.sel $0x180000  }
0x4f: {  	s2 =	simm.s32 $0x2;
	[bflag:$0x0] =	sbarrier.arrive $0xFFFF  }
0x50: {  	s30 =	simm.s32 $0x3;
	[sflag:s2] =	ssyncpa.u1 $0x1  }
0x51: {  	s31 =	simm.s32 $0x1;
	[sflag:s30] =	ssyncpa.u1 $0x1  }
0x52: {  	[sflag:s31] =	ssyncpa.u1 $0x1  }
0x53: {  	p0 =	sne.s32 s1, $0x0;
	_ =	strace $0x90000059  }
0x54: {  	s0 =	sadd.s32 @!p0 $0x100000, s0;
	[bflag:$0x2] =	sbarrier.arrive $0xFFFF  }
0x55: {  	[sflag:s0] =	ssyncadd.tile.s32 @!p0 $0x1;
	_ =	shalt  }
.Lfunc_end2:
_tile_overlayer_lowered:
.L_overlay_start_2:
0x56: {  	(tag) =	ssettag $0x2  }
0x57: {  	s0 =	rddreg [dreg:$0x0];
	s2 =	stileid.u32  }
0x58: {  	s1 =	rddreg [dreg:$0x1];
	p0 =	sne.s32 s2, $0x0  }
0x59: {  	s3 =	rddreg [dreg:$0x2];
	[bflag:$0x3] =	sbarrier.arrive $0xFFFF;
	s2 =	simm.s32 @!p0 $0x1C01  }
0x5a: {  	[timem:s3], [sflag:s2] =	dma.local @!p0 [hbm:s0], s1  }
0x5b: {  	s0 =	simm.s32 @!p0 $0x1  }
0x5c: {  	_ =	swait.ge @!p0 [sflag:s0], s1  }
0x5d: {  	s1 =	ssub.s32 @!p0 $0x0, s1;
	[sflag:s0] =	ssyncset.done @!p0 $0x0  }
0x5e: {  	[sflag:s0] =	ssyncadd.s32 @!p0 s1  }
0x5f: {  	[bflag:$0x3] =	sbarrier.arrive $0xFFFF  }
0x60: {  	_ =	shalt  }

// kernel: gather_offload_async_start
scs
__scs_entry_jumppad:
0x0: {  	(pc) =	sbr.rel $0x88, $3  }
0x1: {  	(tag) =	ssettag $0x0;
	lr =	simm.s32 $0x1  }
0x2: {  	[smem:$0x3F9C] =	sst lr;
	_ =	strace $0xD0000000  }
0x3: {  	_ = 	snop  }
0x4: {  	_ = 	snop  }
0x5: {  	_ = 	snop  }
0x6: {  	_ = 	snop  }
0x7: {  	_ = 	snop  }
__scs_overlays_trampoline_lowered:
0x8: {  	[smem:$0x3FAB] =	sst s0  }
0x9: {  	[smem:$0x3FAC] =	sst s1  }
0xa: {  	[smem:$0x3FAD] =	sst s2  }
0xb: {  	[smem:$0x3FAE] =	sst s3  }
0xc: {  	[smem:$0x3FAF] =	sst s4  }
0xd: {  	[smem:$0x3FB0] =	sst s5  }
0xe: {  	[smem:$0x3FB1] =	sst s6  }
0xf: {  	[smem:$0x3FB2] =	sst s7  }
0x10: {  	[smem:$0x3FB3] =	sst s8  }
0x11: {  	[smem:$0x3FB4] =	sst s9;
	s0 =	simm.s32 @!p0 $0x0  }
0x12: {  	s1 =	sld [smem:$0x3F9A];
	s0 =	simm.s32 @p0 $0x1  }
0x13: {  	[smem:$0x3FB5] =	sst s0;
	s0 =	simm.s32 @!p1 $0x0  }
0x14: {  	s2 =	sld [smem:$0x3F99];
	s0 =	simm.s32 @p1 $0x1  }
0x15: {  	[smem:$0x3FB6] =	sst s0;
	s0 =	simm.s32 @!p2 $0x0  }
0x16: {  	s3 =	sld [smem:$0x3FDB];
	s0 =	simm.s32 @p2 $0x1  }
0x17: {  	s4 =	simm.s32 $0x1BF5;
	[smem:$0x3FB8] =	sst s0  }
0x18: {  	s0 =	sld [smem:$0x3F9B];
	_ =	swait.ge [sflag:s4], $0x0  }
0x19: {  	s7 =	sld [smem:$0x3F9C]  }
0x1a: {  	s8 =	sadd.s32 $0xFFFFE003, lr  }
0x1b: {  	s9 =	sadd.s32 $0xFFFFFEF7, lr;
	s5 =	simm.s32 $0xFFFFFFFF;
	p2 =	slt.u32 s8, $0xFFFFF086  }
0x1c: {  	p1 =	slt.u32 s9, $0xF7A;
	s5 =	simm.s32 @!p2 $0x0  }
0x1d: {  	s5 =	simm.s32 @p1 $0x1;
	p0 =	seq.s32 s7, s2  }
0x1e: {  	s7 =	smul.u32 @!p0 $0xF7A, s2;
	p2 =	seq.s32 @!p0 s5, $0x0  }
0x1f: {  	s9 =	smul.u32 $0xF7A, s1;
	s8 =	simm.s32 @!p0 $0x1BF5;
	p2 =	por !p2, p0  }
0x20: {  	[sflag:s8] =	ssyncset.s32 @!p0 $0xFFFFF086;
	s6 =	sadd.s32 @!p0 s3, s7;
	s7 =	simm.s32 @!p0 $0x108  }
0x21: {  	s3 =	sadd.s32 s3, s9;
	s6 =	sadd.s32 @!p0 $0x88, s6;
	s7 =	simm.s32 @p2 $0x1082  }
0x22: {  	[simem:s7], [sflag:s8] =	dma.local @!p0 [hbm:s6], $0xF7A  }
0x23: {  	s9 =	sor.u32 $0xD0000000, s2;
	s6 =	simm.s32 $0x108;
	_ =	swait.ge @!p0 [sflag:s8], $0x0  }
0x24: {  	s3 =	sadd.s32 $0x88, s3;
	s6 =	simm.s32 @!p1 $0x1082;
	[sflag:s4] =	ssyncset.s32 $0xFFFFF086  }
0x25: {  	[simem:s6], [sflag:s4] =	dma.local [hbm:s3], $0xF7A  }
0x26: {  	[smem:$0x3F9C] =	sst s1;
	(tag) =	ssettag s2;
	_ =	strace s9  }
0x27: {  	s1 =	sld [smem:$0x3FAC]  }
0x28: {  	s2 =	sld [smem:$0x3FAD]  }
0x29: {  	s4 =	sld [smem:$0x3FAF]  }
0x2a: {  	p0 =	seq.s32 s5, $0x0;
	s5 =	sld [smem:$0x3FB0]  }
0x2b: {  	s6 =	sld [smem:$0x3FB1]  }
0x2c: {  	s7 =	sld [smem:$0x3FB2]  }
0x2d: {  	s3 =	simm.s32 $0x108;
	s8 =	sld [smem:$0x3FB3]  }
0x2e: {  	s3 =	simm.s32 @!p0 $0x1082;
	s9 =	sld [smem:$0x3FB4]  }
0x2f: {  	lr =	sadd.s32 s0, s3;
	s0 =	sld [smem:$0x3FAB]  }
0x30: {  	s3 =	sld [smem:$0x3FAE]  }
0x31: {  	[smem:$0x3FB7] =	sst s10  }
0x32: {  	s10 =	sld [smem:$0x3FB5];
	_ =	sdelay $0x3  }
0x33: {  	p0 =	seq.s32 s10, $0x1;
	s10 =	sld [smem:$0x3FB7];
	_ =	sdelay $0x3  }
0x34: {  	[smem:$0x3FB7] =	sst s10  }
0x35: {  	s10 =	sld [smem:$0x3FB6];
	_ =	sdelay $0x3  }
0x36: {  	p1 =	seq.s32 s10, $0x1;
	s10 =	sld [smem:$0x3FB7];
	_ =	sdelay $0x3  }
0x37: {  	[smem:$0x3FB7] =	sst s10  }
0x38: {  	s10 =	sld [smem:$0x3FB8]  }
0x39: {  	_ = 	snop;
	(pc) =	sbr.ind lr, $3  }
0x3a: {  	_ = 	snop  }
0x3b: {  	_ = 	snop  }
0x3c: {  	p2 =	seq.s32 s10, $0x1;
	s10 =	sld [smem:$0x3FB7]  }
0x3d: {  	_ =	shalt  }
0x3e: {  	_ =	shalt  }
0x3f: {  	_ =	shalt  }
0x40: {  	_ =	shalt  }
0x41: {  	_ =	shalt  }
0x42: {  	_ =	shalt  }
0x43: {  	_ =	shalt  }
0x44: {  	_ =	shalt  }
0x45: {  	_ =	shalt  }
0x46: {  	_ =	shalt  }
0x47: {  	_ =	shalt  }
0x48: {  	_ =	shalt  }
0x49: {  	_ =	shalt  }
0x4a: {  	_ =	shalt  }
0x4b: {  	_ =	shalt  }
0x4c: {  	_ =	shalt  }
0x4d: {  	_ =	shalt  }
0x4e: {  	_ =	shalt  }
0x4f: {  	_ =	shalt  }
0x50: {  	_ =	shalt  }
0x51: {  	_ =	shalt  }
0x52: {  	_ =	shalt  }
0x53: {  	_ =	shalt  }
0x54: {  	_ =	shalt  }
0x55: {  	_ =	shalt  }
0x56: {  	_ =	shalt  }
0x57: {  	_ =	shalt  }
0x58: {  	_ =	shalt  }
0x59: {  	_ =	shalt  }
0x5a: {  	_ =	shalt  }
0x5b: {  	_ =	shalt  }
0x5c: {  	_ =	shalt  }
0x5d: {  	_ =	shalt  }
0x5e: {  	_ =	shalt  }
0x5f: {  	_ =	shalt  }
0x60: {  	_ =	shalt  }
0x61: {  	_ =	shalt  }
0x62: {  	_ =	shalt  }
0x63: {  	_ =	shalt  }
0x64: {  	_ =	shalt  }
0x65: {  	_ =	shalt  }
0x66: {  	_ =	shalt  }
0x67: {  	_ =	shalt  }
0x68: {  	_ =	shalt  }
0x69: {  	_ =	shalt  }
0x6a: {  	_ =	shalt  }
0x6b: {  	_ =	shalt  }
0x6c: {  	_ =	shalt  }
0x6d: {  	_ =	shalt  }
0x6e: {  	_ =	shalt  }
0x6f: {  	_ =	shalt  }
0x70: {  	_ =	shalt  }
0x71: {  	_ =	shalt  }
0x72: {  	_ =	shalt  }
0x73: {  	_ =	shalt  }
0x74: {  	_ =	shalt  }
0x75: {  	_ =	shalt  }
0x76: {  	_ =	shalt  }
0x77: {  	_ =	shalt  }
0x78: {  	_ =	shalt  }
0x79: {  	_ =	shalt  }
0x7a: {  	_ =	shalt  }
0x7b: {  	_ =	shalt  }
0x7c: {  	_ =	shalt  }
0x7d: {  	_ =	shalt  }
0x7e: {  	_ =	shalt  }
0x7f: {  	_ =	shalt  }
0x80: {  	_ =	shalt  }
0x81: {  	_ =	shalt  }
0x82: {  	_ =	shalt  }
0x83: {  	_ =	shalt  }
0x84: {  	_ =	shalt  }
0x85: {  	_ =	shalt  }
0x86: {  	_ =	shalt  }
0x87: {  	_ =	shalt  }
.Lfunc_end0:
.L_simem_size_0:
called_computation_lowered:
.L_overlay_start_0:
0x88: {  	s2 =	sld [smem:$0x3FD9]  }
0x89: {  	s3 =	sld [smem:$0x3FFE];
	_ =	sdelay $0x1  }
0x8a: {  	s1 =	srdreg.scid  }
0x8b: {  	s0 =	sand.u32 $0x1, s1  }
0x8c: {  	s16 =	sshll.u32 s0, $0xA;
	s2 =	sadd.s32 s3, s2  }
0x8d: {  	s2 =	sadd.s32 s2, s16  }
0x8e: {  	[smem:$0x3FC3] =	sst s2  }
0x8f: {  	_ = 	snop  }
0x90: {  	(tm) =	ssettm $0x1  }
0x91: {  	s17 =	sld [smem:$0x3FFB];
	_ =	sdelay $0x3  }
0x92: {  	_ =	strace s17  }
0x93: {  	s2 =	sld [smem:$0x3FFC];
	_ =	sdelay $0x3  }
0x94: {  	_ =	strace s2  }
0x95: {  	s2 =	sld [smem:$0x3FFD];
	_ =	sdelay $0x3  }
0x96: {  	_ =	strace s2  }
0x97: {  	_ =	strace $0x8FFFFFFF  }
0x98: {  	s18 =	sld [smem:$0x3FDB];
	_ =	sdelay $0x1  }
0x99: {  	s19 =	simm.s32 $_scs_section_size  }
0x9a: {  	s4 =	simm.s32 $_size__tile_overlayer_lowered;
	s5 =	simm.s32 $_tile_overlayer_lowered  }
0x9b: {  	s22 =	simm.s32 $0x1BFF;
	s21 =	sshll.u32 s5, $0x1;
	s2 =	sadd.s32 s19, s18  }
0x9c: {  	s6 =	simm.s32 $0x0;
	s20 =	sshll.u32 s4, $0x1;
	s4 =	sadd.s32 s21, s2  }
0x9d: {  	[timem:s6], [sflag:s22] =	dma.local [hbm:s4], s20  }
0x9e: {  	_ =	swait.ge [sflag:s22], s20  }
0x9f: {  	s3 =	ssub.s32 $0x0, s20;
	[sflag:s22] =	ssyncset.done $0x0  }
0xa0: {  	[sflag:s22] =	ssyncadd.s32 s3;
	_ =	sdelay $0x1  }
0xa1: {  	s23 =	simm.s32 $0x1B8B  }
0xa2: {  	_ =	swait.ge [sflag:s23], $0x1  }
0xa3: {  	[sflag:s23] =	ssyncset.done $0x0  }
0xa4: {  	s25 =	simm.s32 $0x1B8E;
	s24 =	sld [smem:$0x3FFE];
	[sflag:s23] =	ssyncadd.s32 $0xFFFFFFFF  }
0xa5: {  	s26 =	simm.s32 $execute0_lowered;
	[smem:$0x3FD2] =	sst s25  }
0xa6: {  	s4 =	sshll.u32 s26, $0x1;
	_ =	strace $0x8000004F;
	[dreg:$0x1] =	wrdreg $0xFFFFFFFF  }
0xa7: {  	s28 =	simm.s32 $_size_execute0_lowered;
	s2 =	sadd.s32 s2, s4;
	[dreg:$0x0] =	wrdreg $0x0  }
0xa8: {  	s4 =	sshll.u32 s28, $0x1;
	[dreg:$0x2] =	wrdreg s2  }
0xa9: {  	[dreg:$0x3] =	wrdreg s4  }
0xaa: {  	[dreg:$0x4] =	wrdreg $0xC0  }
0xab: {  	_ =	task [dreg:s6], $0x5FFFF  }
0xac: {  	[dreg:$0x1] =	wrdreg $0xFFFFFFFF  }
0xad: {  	[dreg:$0x0] =	wrdreg $0x60  }
0xae: {  	[dreg:$0x2] =	wrdreg s24  }
0xaf: {  	[dreg:$0x3] =	wrdreg $0x9  }
0xb0: {  	_ =	task.clear_ibuf [dreg:s6], $0x4FFFF;
	_ =	strace $0x9000004F  }
0xb1: {  	s29 =	simm.s32 $0x9;
	_ =	strace $0x80000051  }
0xb2: {  	_ =	swait.ge [sflag:s29], $0x1  }
0xb3: {  	[sflag:s29] =	ssyncadd.s32 $0xFFFFFFFF  }
0xb4: {  	_ =	strace $0x90000051  }
0xb5: {  	_ =	sfence  }
0xb6: {  	s30 =	sld [smem:$0x0];
	_ =	sdelay $0x2  }
0xb7: {  	s31 =	sshll.u32 s1, $0xD;
	s1 =	sshrl.u32 s1, $0x2  }
0xb8: {  	s3 =	sand.u32 $0x4000, s31;
	s1 =	sadd.s32 s1, s30  }
0xb9: {  	s0 =	sor.u32 s3, s0;
	s1 =	sshll.u32 s1, $0x11  }
0xba: {  	s0 =	sor.u32 s1, s0  }
0xbb: {  	s0 =	sadd.s32 $0x8F2B, s0  }
0xbc: {  	[sflag:s0] =	ssyncadd.remote.s32 $0x1  }
0xbd: {  	_ =	sfence.sel $0xFFFF  }
0xbe: {  	[dreg:$0x0] =	wrdreg $0xFFFFFFFF;
	(pc) =	sbr.abs _section_cstart, $3  }
0xbf: {  	[dreg:$0x1] =	wrdreg $0xFFFFFFFF  }
0xc0: {  	_ =	task.clear_ibuf [dreg:s6], $0x2FFFF;
	_ =	strace $0x9FFFFFFF  }
0xc1: {  	(tm) =	ssettm $0x7FFFFFFF  }
tec
execute0_lowered:
.L_overlay_start_1:
0x0: {  	(tag) =	ssettag $0x1  }
0x1: {  	s7 =	rddreg [dreg:$0x0]  }
0x2: {  	s0 =	rddreg [dreg:$0x1];
	_ =	strace $0x80000050  }
0x3: {  	s1 =	srdreg.scid;
	s4 =	simm.s32 $0x1;
	s9 =	simm.s32 $0x3  }
0x4: {  	s12 =	simm.s32 $0x0;
	s10 =	simm.s32 $0x0;
	s5 =	sshll.u32 s1, $0x4  }
.Ltmp0:
0x5: {  	s1 =	stileid.u32;
	s5 =	sand.u32 $0x10, s5;
	(pc) =	sbr.rel .LBB2_1-.Ltmp0, $4  }
0x6: {  	s2 =	sadd.s32 $0x9D000, s7;
	s3 =	sadd.s32 $0x9CE00, s7;
	s6 =	sor.u32 s1, s5  }
0x7: {  	[sflag:s4] =	ssyncpa.u1 $0x0;
	s5 =	simm.s32 $0x2;
	s6 =	sshll.u32 s6, $0x6  }
0x8: {  	s7 =	sadd.s32 $0x8200, s7;
	[sflag:s5] =	ssyncpa.u1 $0x0;
	s8 =	sadd.s32 $0x40, s6  }
0x9: {  	vm0 =	vmmov $0xff;
	vm1 =	vcmask $0x3F20;
	[sflag:s9] =	ssyncpa.u1 $0x0;
	s9 =	simm.s32 $0x40;
	s11 =	smov.u32 s6  }
.LBB2_9:
0xa: {  	p0 =	seq.s32 s10, $0x2  }
.Ltmp1:
0xb: {  	_ = 	snop;
	(pc) =	sbr.rel @p0 .LBB2_11-.Ltmp1, $1  }
0xc: {  	_ =	sdelay $0x3  }
.LBB2_10:
0xd: {  	s12 =	sadd.s32 $0x40, s11  }
0xe: {  	s13 =	smov.u32 s6;
	p0 =	slt.s32 s12, s8  }
0xf: {  	s13 =	smov.u32 @p0 s12  }
0x10: {  	s10 =	sadd.s32 $0x1, s10;
	s12 =	smov.u32 s11;
	s11 =	smov.u32 s13  }
.LBB2_1:
0x11: {  	p0 =	sne.s32 s10, $0x0  }
.Ltmp2:
0x12: {  	_ = 	snop;
	(pc) =	sbr.rel @!p0 .LBB2_2-.Ltmp2, $1  }
0x13: {  	_ =	sdelay $0x3  }
0x14: {  	s13 =	sand.u32 $0x1, s10  }
0x15: {  	p0 =	seq.s32 s13, $0x0  }
.Ltmp3:
0x16: {  	_ = 	snop;
	(pc) =	sbr.rel @p0 .LBB2_9-.Ltmp3, $1  }
0x17: {  	_ =	sdelay $0x3  }
0x18: {  	_ =	swait.ge [sflag:s5], $0x40  }
0x19: {  	[sflag:s5] =	ssyncset.done $0x0  }
0x1a: {  	s13 =	simm.s32 $0x0;
	[sflag:s5] =	ssyncadd.s32 $0xFFFFFFC0  }
0x1b: {  	v0 =	vld.msk [tilespmem:s13+$0x40 ss:$0x1], $0xffff;
	_ =	sdelay $0x4  }
0x1c: {  	vm2 =	vgt.s32 v0, $0x0  }
0x1d: {  	v0 =	vnsel vm2, $0x0, v0  }
0x1e: {  	v0 =	vmin.u32 v0, $0x270F  }
0x1f: {  	v0 =	vshll.u32 v0, $0x4;
	_ =	sdelay $0x3  }
0x20: {  	s13 =	simm.s32 $0x2080  }
0x21: {  	[tilespmem:s13], [sflag:$0x1] =	stream.indirect_vreg.gather [hbm:s2], $0x80, v0, vm0, $0x38;
	[tilespmem:$0x4080] =	vst v63  }
0x22: {  	s14 =	simm.s32 $0x2480;
	s31 =	simm.s32 $0x10  }
0x23: {  	[tilespmem:s14], [sflag:$0x1] =	stream.indirect_vreg.gather [hbm:s2], $0x80, v0, vm1, $0x38;
	[tilespmem:$0x4080] =	vst v63  }
0x24: {  	s14 =	simm.s32 $0x80;
	v0 =	vld.msk [tilespmem:s31+$0x40 ss:$0x1], $0xffff  }
.LBB2_5:
0x25: {  	p0 =	sne.s32 s14, $0xC0;
	_ =	sdelay $0x4  }
0x26: {  	vm2 =	vgt.s32 v0, $0x0  }
0x27: {  	v0 =	vnsel vm2, $0x0, v0  }
0x28: {  	v0 =	vmin.u32 v0, $0x270F  }
0x29: {  	v0 =	vshll.u32 v0, $0x4;
	_ =	sdelay $0x3  }
.Ltmp4:
0x2a: {  	s13 =	sadd.s32 $0x800, s13;
	(pc) =	sbr.rel @p0 .LBB2_5-.Ltmp4, $4  }
0x2b: {  	[tilespmem:s13], [sflag:$0x1] =	stream.indirect_vreg.gather [hbm:s2], $0x80, v0, vm0, $0x38;
	[tilespmem:$0x4080] =	vst v63  }
0x2c: {  	s15 =	sshra.s32 s14, $0x2;
	s16 =	sadd.s32 $0x400, s13  }
0x2d: {  	[tilespmem:s16], [sflag:$0x1] =	stream.indirect_vreg.gather [hbm:s2], $0x80, v0, vm1, $0x38;
	[tilespmem:$0x4080] =	vst v63  }
0x2e: {  	s14 =	sadd.s32 $0x40, s14;
	v0 =	vld.msk [tilespmem:s15+$0x40 ss:$0x1], $0xffff  }
0x2f: {  	_ =	sdelay $0x3  }
0x30: {  	vm2 =	vgt.s32 v0, $0x0  }
0x31: {  	v0 =	vnsel vm2, $0x0, v0  }
0x32: {  	v0 =	vmin.u32 v0, $0x270F  }
0x33: {  	v0 =	vshll.u32 v0, $0x4;
	_ =	sdelay $0x3  }
0x34: {  	s13 =	sadd.s32 $0x800, s13  }
0x35: {  	[tilespmem:s13], [sflag:$0x1] =	stream.indirect_vreg.gather [hbm:s2], $0x80, v0, vm0, $0x38;
	[tilespmem:$0x4080] =	vst v63  }
0x36: {  	s13 =	sadd.s32 $0x400, s13  }
0x37: {  	[tilespmem:s13], [sflag:$0x1] =	stream.indirect_vreg.gather [hbm:s2], $0x80, v0, vm1, $0x38;
	[tilespmem:$0x4080] =	vst v63  }
0x38: {  	s12 =	sshll.u32 s12, $0x4;
	s14 =	simm.s32 $0x80;
	_ =	swait.ge [sflag:s4], $0x2000  }
0x39: {  	s15 =	simm.s32 $0x2480;
	s12 =	sadd.s32 s12, s7;
	[sflag:s4] =	ssyncset.done $0x0  }
0x3a: {  	s16 =	sadd.s32 $0x0, s12;
	s13 =	simm.s32 $0x2080;
	[sflag:s4] =	ssyncadd.s32 $0xFFFFE000  }
.LBB2_7:
0x3b: {  	[hbm:s16] =	stream.linear.scatter [tilespmem:s13], [sflag:$0x3], $0x400, $0x38;
	[tilespmem:$0x4080] =	vst v63  }
0x3c: {  	s16 =	smov.u32 s14;
	s13 =	smov.u32 s15;
	p0 =	sne.s32 s14, $0x380  }
.Ltmp5:
0x3d: {  	s14 =	sadd.s32 $0x80, s14;
	(pc) =	sbr.rel @p0 .LBB2_7-.Ltmp5, $2  }
0x3e: {  	_ =	sdelay $0x2  }
0x3f: {  	s15 =	sadd.s32 $0x400, s15;
	s16 =	sadd.s32 s16, s12  }
.Ltmp6:
0x40: {  	(pc) =	sbr.rel .LBB2_9-.Ltmp6, $2  }
0x41: {  	_ =	sdelay $0x2  }
0x42: {  	[hbm:s16] =	stream.linear.scatter [tilespmem:s13], [sflag:$0x3], $0x400, $0x38;
	[tilespmem:$0x4080] =	vst v63  }
.LBB2_2:
.Ltmp7:
0x43: {  	(pc) =	sbr.rel .LBB2_10-.Ltmp7, $4  }
0x44: {  	_ = 	snop  }
0x45: {  	s12 =	sshrl.u32 s11, $0x3  }
0x46: {  	s13 =	sand.u32 $0x7, s11;
	s12 =	sadd.s32 s3, s12  }
0x47: {  	[tilespmem:s9], [sflag:$0x2] =	stream.linear.gather [hbm4b:s12+s13], $0x40, $0x38;
	[tilespmem:$0x4080] =	vst v63  }
.LBB2_11:
0x48: {  	s2 =	simm.s32 $0x3  }
0x49: {  	_ =	swait.ge [sflag:s2], $0x2000  }
0x4a: {  	[sflag:s2] =	ssyncset.done $0x0  }
0x4b: {  	[sflag:s2] =	ssyncadd.s32 $0xFFFFE000  }
0x4c: {  	_ =	sfence.sel $0x180000  }
0x4d: {  	s3 =	simm.s32 $0x2;
	[bflag:$0x0] =	sbarrier.arrive $0xFFFF  }
0x4e: {  	[sflag:s3] =	ssyncpa.u1 $0x1  }
0x4f: {  	s31 =	simm.s32 $0x1;
	[sflag:s2] =	ssyncpa.u1 $0x1  }
0x50: {  	[sflag:s31] =	ssyncpa.u1 $0x1  }
0x51: {  	p0 =	sne.s32 s1, $0x0;
	_ =	strace $0x90000050  }
0x52: {  	s0 =	sadd.s32 @!p0 $0x100000, s0;
	[bflag:$0x2] =	sbarrier.arrive $0xFFFF  }
0x53: {  	[sflag:s0] =	ssyncadd.tile.s32 @!p0 $0x1;
	_ =	shalt  }
.Lfunc_end2:
_tile_overlayer_lowered:
.L_overlay_start_2:
0x54: {  	(tag) =	ssettag $0x2  }
0x55: {  	s0 =	rddreg [dreg:$0x0];
	s2 =	stileid.u32  }
0x56: {  	s1 =	rddreg [dreg:$0x1];
	p0 =	sne.s32 s2, $0x0  }
0x57: {  	s3 =	rddreg [dreg:$0x2];
	[bflag:$0x3] =	sbarrier.arrive $0xFFFF;
	s2 =	simm.s32 @!p0 $0x1C01  }
0x58: {  	[timem:s3], [sflag:s2] =	dma.local @!p0 [hbm:s0], s1  }
0x59: {  	s0 =	simm.s32 @!p0 $0x1  }
0x5a: {  	_ =	swait.ge @!p0 [sflag:s0], s1  }
0x5b: {  	s1 =	ssub.s32 @!p0 $0x0, s1;
	[sflag:s0] =	ssyncset.done @!p0 $0x0  }
0x5c: {  	[sflag:s0] =	ssyncadd.s32 @!p0 s1  }
0x5d: {  	[bflag:$0x3] =	sbarrier.arrive $0xFFFF  }
0x5e: {  	_ =	shalt  }

</sc_bundles>
